<compile_context>
chip_gen: v7x
topology: tpu7x:2x2x1
jax: 0.10.2.dev20260603
libtpu: 0.0.44.dev20260713+nightly
codegen_flags: <defaults>
</compile_context>

<pallas_src>
import functools

import jax
import jax.numpy as jnp
from jax import lax
from jax.experimental import pallas as pl
from jax.experimental.pallas import tpu as pltpu
from jax.experimental.pallas import tpu_sc as plsc

N_POS = 8192
DIM = 768
N_IDX = 4 * 8192
NUM_CORES = 2
NUM_SUBCORES = 16
NW = NUM_CORES * NUM_SUBCORES
BPW = N_IDX // NW
CHUNK = 64
NCHUNK = BPW // CHUNK


@functools.partial(
    pl.kernel,
    mesh=plsc.VectorSubcoreMesh(core_axis_name="c", subcore_axis_name="s"),
    out_type=jax.ShapeDtypeStruct((N_IDX, DIM), jnp.float32),
    scratch_types=[
        pltpu.VMEM((NCHUNK, CHUNK), jnp.int32),
        pltpu.VMEM((CHUNK, DIM), jnp.float32),
        pltpu.VMEM((CHUNK, DIM), jnp.float32),
        pltpu.SemaphoreType.DMA,
        pltpu.SemaphoreType.DMA,
    ],
)
def _gather_kernel(idx_hbm, table_hbm, out_hbm, idx_v, buf0, buf1, gsem, osem):
    wid = lax.axis_index("s") * NUM_CORES + lax.axis_index("c")
    base = wid * BPW
    bufs = (buf0, buf1)
    pltpu.sync_copy(idx_hbm.at[wid], idx_v)
    pltpu.async_copy(table_hbm.at[idx_v.at[0]], bufs[0], gsem)
    for i in range(NCHUNK):
        buf = bufs[i % 2]
        gwait = pltpu.make_async_copy(table_hbm.at[idx_v.at[i]], buf, gsem)
        gwait.wait()
        if i >= 1:
            prev = bufs[(i - 1) % 2]
            pltpu.make_async_copy(
                prev, out_hbm.at[pl.ds(base + (i - 1) * CHUNK, CHUNK)], osem
            ).wait()
        if i + 1 < NCHUNK:
            pltpu.async_copy(table_hbm.at[idx_v.at[i + 1]], bufs[(i + 1) % 2], gsem)
        pltpu.async_copy(buf, out_hbm.at[pl.ds(base + i * CHUNK, CHUNK)], osem)
    pltpu.make_async_copy(
        bufs[(NCHUNK - 1) % 2],
        out_hbm.at[pl.ds(base + (NCHUNK - 1) * CHUNK, CHUNK)],
        osem,
    ).wait()


def kernel(positions, embeddings):
    idx = positions.reshape(NW, NCHUNK, CHUNK)
    out = _gather_kernel(idx, embeddings)
    return out.reshape(positions.shape + (DIM,))

# --- scband reference (transcript-rebuilt; emitter-appended) ---
"""Pipeline reference for scband-positional-embedding-38792144617839 (READ-ONLY COPY).

The authoritative reference and input builder live on the scoring server;
editing this copy changes nothing except your own understanding.
"""

import jax, jax.numpy as jnp
import numpy as np

N_POS = 8192
DIM = 768

def _make_sinusoidal_table(n_pos, dim):
    # Faithful to: pos / 10000**(2*(j//2)/dim), sin on even cols, cos on odd cols
    pos = np.arange(n_pos, dtype=np.float64)[:, None]
    j = np.arange(dim, dtype=np.float64)[None, :]
    position_enc = pos / np.power(10000.0, 2.0 * (np.floor(j / 2.0)) / dim)
    emb = np.zeros((n_pos, dim), dtype=np.float32)
    emb[:, 0::2] = np.sin(position_enc[:, 0::2]).astype(np.float32)
    emb[:, 1::2] = np.cos(position_enc[:, 1::2]).astype(np.float32)
    return jnp.asarray(emb)

def setup_inputs(seed: int = 0) -> dict:
    key = jax.random.key(seed)
    positions = jax.random.randint(key, (4, 8192), 0, N_POS, dtype=jnp.int32)
    embeddings = _make_sinusoidal_table(N_POS, DIM)
    return {"positions": positions, "embeddings": embeddings}

def reference(positions, embeddings):
    # ret = self.embeddings[positions]
    ret = jnp.take(embeddings, positions, axis=0)
    return ret

if __name__ == "__main__":
    import jax
    _d = setup_inputs()
    print(jax.jit(kernel)(*tuple(_d.values())))

</pallas_src>

<mosaic_0001>
#map = affine_map<(d0, d1) -> (0, 0, 0)>
#map1 = affine_map<(d0, d1) -> (0, 0)>
module attributes {stable_mosaic.version = 14 : i64} {
  func.func @_gather_kernel(%arg0: i32, %arg1: i32, %arg2: memref<32x16x64xi32, #tpu.memory_space<hbm>>, %arg3: memref<8192x768xf32, #tpu.memory_space<hbm>>, %arg4: memref<32768x768xf32, #tpu.memory_space<hbm>>, %arg5: memref<16x64xi32, #tpu.memory_space<vmem>>, %arg6: memref<64x768xf32, #tpu.memory_space<vmem>>, %arg7: memref<64x768xf32, #tpu.memory_space<vmem>>, %arg8: memref<!tpu.dma_semaphore, #tpu.memory_space<semaphore_mem>>, %arg9: memref<!tpu.dma_semaphore, #tpu.memory_space<semaphore_mem>>) attributes {dimension_semantics = [#tpu.dimension_semantics<core_parallel>, #tpu.dimension_semantics<subcore_parallel>], iteration_bounds = array<i64: 2, 16>, scalar_prefetch = 0 : i64, scratch_operands = 5 : i64, tpu.core_type = #tpu.core_type<sc_vector_subcore>, window_params = [{transform_indices = #map}, {transform_indices = #map1}, {transform_indices = #map1}]} {
    %mul3A = arith.constant 2 : i32
    %mul3A_0 = arith.muli %arg1, %mul3A : i32
    %add3A = arith.addi %mul3A_0, %arg0 : i32
    %mul3A_1 = arith.constant 1024 : i32
    %mul3A_2 = arith.muli %add3A, %mul3A_1 : i32
    "tpu.region"() ({
      %run_scoped3A = tpu.sem_alloc : memref<!tpu.dma_semaphore, #tpu.memory_space<semaphore_mem>>
      %dma_start3A_417 = arith.constant 0 : i32
      %dma_start3A_418 = arith.constant 0 : i32
      %dma_start3A_419 = tpu.memref_slice %arg2[%add3A, %dma_start3A_417, %dma_start3A_418] : memref<32x16x64xi32, #tpu.memory_space<hbm>> -> memref<1x16x64xi32, #tpu.memory_space<hbm>>
      %dma_start3A_420 = tpu.memref_squeeze %dma_start3A_419 : memref<1x16x64xi32, #tpu.memory_space<hbm>> -> memref<16x64xi32, #tpu.memory_space<hbm>>
      %dma_start3A_421 = arith.constant 0 : i32
      %dma_start3A_422 = arith.constant 0 : i32
      %dma_start3A_423 = tpu.memref_slice %arg2[%add3A, %dma_start3A_421, %dma_start3A_422] : memref<32x16x64xi32, #tpu.memory_space<hbm>> -> memref<1x16x64xi32, #tpu.memory_space<hbm>>
      %dma_start3A_424 = tpu.memref_squeeze %dma_start3A_423 : memref<1x16x64xi32, #tpu.memory_space<hbm>> -> memref<16x64xi32, #tpu.memory_space<hbm>>
      tpu.enqueue_dma source(%dma_start3A_424 : memref<16x64xi32, #tpu.memory_space<hbm>>) target(%arg5 : memref<16x64xi32, #tpu.memory_space<vmem>>) target_semaphore(%run_scoped3A : memref<!tpu.dma_semaphore, #tpu.memory_space<semaphore_mem>>)
      %dma_wait3A_425 = arith.constant 0 : i32
      %dma_wait3A_426 = arith.constant 0 : i32
      %dma_wait3A_427 = tpu.memref_slice %arg2[%add3A, %dma_wait3A_425, %dma_wait3A_426] : memref<32x16x64xi32, #tpu.memory_space<hbm>> -> memref<1x16x64xi32, #tpu.memory_space<hbm>>
      %dma_wait3A_428 = tpu.memref_squeeze %dma_wait3A_427 : memref<1x16x64xi32, #tpu.memory_space<hbm>> -> memref<16x64xi32, #tpu.memory_space<hbm>>
      %dma_wait3A_429 = arith.constant 0 : i32
      %dma_wait3A_430 = arith.constant 0 : i32
      %dma_wait3A_431 = tpu.memref_slice %arg2[%add3A, %dma_wait3A_429, %dma_wait3A_430] : memref<32x16x64xi32, #tpu.memory_space<hbm>> -> memref<1x16x64xi32, #tpu.memory_space<hbm>>
      %dma_wait3A_432 = tpu.memref_squeeze %dma_wait3A_431 : memref<1x16x64xi32, #tpu.memory_space<hbm>> -> memref<16x64xi32, #tpu.memory_space<hbm>>
      tpu.wait_dma2 semaphore(%run_scoped3A : memref<!tpu.dma_semaphore, #tpu.memory_space<semaphore_mem>>) src(%dma_wait3A_432 : memref<16x64xi32, #tpu.memory_space<hbm>>) dst(%arg5 : memref<16x64xi32, #tpu.memory_space<vmem>>)
      tpu.yield
    }) : () -> ()
    %dma_start3A = arith.constant 0 : i32
    %dma_start3A_3 = arith.constant 0 : i32
    %dma_start3A_4 = tpu.memref_slice %arg5[%dma_start3A, %dma_start3A_3] : memref<16x64xi32, #tpu.memory_space<vmem>> -> memref<1x64xi32, #tpu.memory_space<vmem>>
    %dma_start3A_5 = tpu.memref_squeeze %dma_start3A_4 : memref<1x64xi32, #tpu.memory_space<vmem>> -> memref<64xi32, #tpu.memory_space<vmem>>
    %dma_start3A_6 = arith.constant 0 : i32
    %dma_start3A_7 = arith.constant 0 : i32
    %dma_start3A_8 = tpu.memref_slice %arg3[%dma_start3A_6, %dma_start3A_7] : memref<8192x768xf32, #tpu.memory_space<hbm>> -> memref<8192x768xf32, #tpu.memory_space<hbm>>
    tpu.enqueue_indirect_dma source(%dma_start3A_8 : memref<8192x768xf32, #tpu.memory_space<hbm>>) target(%arg6 : memref<64x768xf32, #tpu.memory_space<vmem>>) offsets(%dma_start3A_5 : memref<64xi32, #tpu.memory_space<vmem>>) semaphore(%arg8 : memref<!tpu.dma_semaphore, #tpu.memory_space<semaphore_mem>>)
    %dma_wait3A = arith.constant 0 : i32
    %dma_wait3A_9 = arith.constant 0 : i32
    %dma_wait3A_10 = tpu.memref_slice %arg5[%dma_wait3A, %dma_wait3A_9] : memref<16x64xi32, #tpu.memory_space<vmem>> -> memref<1x64xi32, #tpu.memory_space<vmem>>
    %dma_wait3A_11 = tpu.memref_squeeze %dma_wait3A_10 : memref<1x64xi32, #tpu.memory_space<vmem>> -> memref<64xi32, #tpu.memory_space<vmem>>
    %dma_wait3A_12 = arith.constant 0 : i32
    %dma_wait3A_13 = arith.constant 0 : i32
    %dma_wait3A_14 = tpu.memref_slice %arg3[%dma_wait3A_12, %dma_wait3A_13] : memref<8192x768xf32, #tpu.memory_space<hbm>> -> memref<8192x768xf32, #tpu.memory_space<hbm>>
    tpu.wait_indirect_dma semaphore(%arg8 : memref<!tpu.dma_semaphore, #tpu.memory_space<semaphore_mem>>) src(%dma_wait3A_14 : memref<8192x768xf32, #tpu.memory_space<hbm>>) dst(%arg6 : memref<64x768xf32, #tpu.memory_space<vmem>>)
    %dma_start3A_15 = arith.constant 1 : i32
    %dma_start3A_16 = arith.constant 0 : i32
    %dma_start3A_17 = tpu.memref_slice %arg5[%dma_start3A_15, %dma_start3A_16] : memref<16x64xi32, #tpu.memory_space<vmem>> -> memref<1x64xi32, #tpu.memory_space<vmem>>
    %dma_start3A_18 = tpu.memref_squeeze %dma_start3A_17 : memref<1x64xi32, #tpu.memory_space<vmem>> -> memref<64xi32, #tpu.memory_space<vmem>>
    %dma_start3A_19 = arith.constant 0 : i32
    %dma_start3A_20 = arith.constant 0 : i32
    %dma_start3A_21 = tpu.memref_slice %arg3[%dma_start3A_19, %dma_start3A_20] : memref<8192x768xf32, #tpu.memory_space<hbm>> -> memref<8192x768xf32, #tpu.memory_space<hbm>>
    tpu.enqueue_indirect_dma source(%dma_start3A_21 : memref<8192x768xf32, #tpu.memory_space<hbm>>) target(%arg7 : memref<64x768xf32, #tpu.memory_space<vmem>>) offsets(%dma_start3A_18 : memref<64xi32, #tpu.memory_space<vmem>>) semaphore(%arg8 : memref<!tpu.dma_semaphore, #tpu.memory_space<semaphore_mem>>)
    %add3A_22 = arith.constant 0 : i32
    %add3A_23 = arith.addi %mul3A_2, %add3A_22 : i32
    %dma_start3A_24 = arith.constant 0 : i32
    %dma_start3A_25 = tpu.memref_slice %arg4[%add3A_23, %dma_start3A_24] : memref<32768x768xf32, #tpu.memory_space<hbm>> -> memref<64x768xf32, #tpu.memory_space<hbm>>
    %dma_start3A_26 = arith.constant 0 : i32
    %dma_start3A_27 = tpu.memref_slice %arg4[%add3A_23, %dma_start3A_26] : memref<32768x768xf32, #tpu.memory_space<hbm>> -> memref<64x768xf32, #tpu.memory_space<hbm>>
    tpu.enqueue_dma source(%arg6 : memref<64x768xf32, #tpu.memory_space<vmem>>) target(%dma_start3A_27 : memref<64x768xf32, #tpu.memory_space<hbm>>) target_semaphore(%arg9 : memref<!tpu.dma_semaphore, #tpu.memory_space<semaphore_mem>>)
    %dma_wait3A_28 = arith.constant 1 : i32
    %dma_wait3A_29 = arith.constant 0 : i32
    %dma_wait3A_30 = tpu.memref_slice %arg5[%dma_wait3A_28, %dma_wait3A_29] : memref<16x64xi32, #tpu.memory_space<vmem>> -> memref<1x64xi32, #tpu.memory_space<vmem>>
    %dma_wait3A_31 = tpu.memref_squeeze %dma_wait3A_30 : memref<1x64xi32, #tpu.memory_space<vmem>> -> memref<64xi32, #tpu.memory_space<vmem>>
    %dma_wait3A_32 = arith.constant 0 : i32
    %dma_wait3A_33 = arith.constant 0 : i32
    %dma_wait3A_34 = tpu.memref_slice %arg3[%dma_wait3A_32, %dma_wait3A_33] : memref<8192x768xf32, #tpu.memory_space<hbm>> -> memref<8192x768xf32, #tpu.memory_space<hbm>>
    tpu.wait_indirect_dma semaphore(%arg8 : memref<!tpu.dma_semaphore, #tpu.memory_space<semaphore_mem>>) src(%dma_wait3A_34 : memref<8192x768xf32, #tpu.memory_space<hbm>>) dst(%arg7 : memref<64x768xf32, #tpu.memory_space<vmem>>)
    %add3A_35 = arith.constant 0 : i32
    %add3A_36 = arith.addi %mul3A_2, %add3A_35 : i32
    %dma_wait3A_37 = arith.constant 0 : i32
    %dma_wait3A_38 = tpu.memref_slice %arg4[%add3A_36, %dma_wait3A_37] : memref<32768x768xf32, #tpu.memory_space<hbm>> -> memref<64x768xf32, #tpu.memory_space<hbm>>
    %dma_wait3A_39 = arith.constant 0 : i32
    %dma_wait3A_40 = tpu.memref_slice %arg4[%add3A_36, %dma_wait3A_39] : memref<32768x768xf32, #tpu.memory_space<hbm>> -> memref<64x768xf32, #tpu.memory_space<hbm>>
    tpu.wait_dma2 semaphore(%arg9 : memref<!tpu.dma_semaphore, #tpu.memory_space<semaphore_mem>>) src(%arg6 : memref<64x768xf32, #tpu.memory_space<vmem>>) dst(%dma_wait3A_40 : memref<64x768xf32, #tpu.memory_space<hbm>>)
    %dma_start3A_41 = arith.constant 2 : i32
    %dma_start3A_42 = arith.constant 0 : i32
    %dma_start3A_43 = tpu.memref_slice %arg5[%dma_start3A_41, %dma_start3A_42] : memref<16x64xi32, #tpu.memory_space<vmem>> -> memref<1x64xi32, #tpu.memory_space<vmem>>
    %dma_start3A_44 = tpu.memref_squeeze %dma_start3A_43 : memref<1x64xi32, #tpu.memory_space<vmem>> -> memref<64xi32, #tpu.memory_space<vmem>>
    %dma_start3A_45 = arith.constant 0 : i32
    %dma_start3A_46 = arith.constant 0 : i32
    %dma_start3A_47 = tpu.memref_slice %arg3[%dma_start3A_45, %dma_start3A_46] : memref<8192x768xf32, #tpu.memory_space<hbm>> -> memref<8192x768xf32, #tpu.memory_space<hbm>>
    tpu.enqueue_indirect_dma source(%dma_start3A_47 : memref<8192x768xf32, #tpu.memory_space<hbm>>) target(%arg6 : memref<64x768xf32, #tpu.memory_space<vmem>>) offsets(%dma_start3A_44 : memref<64xi32, #tpu.memory_space<vmem>>) semaphore(%arg8 : memref<!tpu.dma_semaphore, #tpu.memory_space<semaphore_mem>>)
    %add3A_48 = arith.constant 64 : i32
    %add3A_49 = arith.addi %mul3A_2, %add3A_48 : i32
    %dma_start3A_50 = arith.constant 0 : i32
    %dma_start3A_51 = tpu.memref_slice %arg4[%add3A_49, %dma_start3A_50] : memref<32768x768xf32, #tpu.memory_space<hbm>> -> memref<64x768xf32, #tpu.memory_space<hbm>>
    %dma_start3A_52 = arith.constant 0 : i32
    %dma_start3A_53 = tpu.memref_slice %arg4[%add3A_49, %dma_start3A_52] : memref<32768x768xf32, #tpu.memory_space<hbm>> -> memref<64x768xf32, #tpu.memory_space<hbm>>
    tpu.enqueue_dma source(%arg7 : memref<64x768xf32, #tpu.memory_space<vmem>>) target(%dma_start3A_53 : memref<64x768xf32, #tpu.memory_space<hbm>>) target_semaphore(%arg9 : memref<!tpu.dma_semaphore, #tpu.memory_space<semaphore_mem>>)
    %dma_wait3A_54 = arith.constant 2 : i32
    %dma_wait3A_55 = arith.constant 0 : i32
    %dma_wait3A_56 = tpu.memref_slice %arg5[%dma_wait3A_54, %dma_wait3A_55] : memref<16x64xi32, #tpu.memory_space<vmem>> -> memref<1x64xi32, #tpu.memory_space<vmem>>
    %dma_wait3A_57 = tpu.memref_squeeze %dma_wait3A_56 : memref<1x64xi32, #tpu.memory_space<vmem>> -> memref<64xi32, #tpu.memory_space<vmem>>
    %dma_wait3A_58 = arith.constant 0 : i32
    %dma_wait3A_59 = arith.constant 0 : i32
    %dma_wait3A_60 = tpu.memref_slice %arg3[%dma_wait3A_58, %dma_wait3A_59] : memref<8192x768xf32, #tpu.memory_space<hbm>> -> memref<8192x768xf32, #tpu.memory_space<hbm>>
    tpu.wait_indirect_dma semaphore(%arg8 : memref<!tpu.dma_semaphore, #tpu.memory_space<semaphore_mem>>) src(%dma_wait3A_60 : memref<8192x768xf32, #tpu.memory_space<hbm>>) dst(%arg6 : memref<64x768xf32, #tpu.memory_space<vmem>>)
    %add3A_61 = arith.constant 64 : i32
    %add3A_62 = arith.addi %mul3A_2, %add3A_61 : i32
    %dma_wait3A_63 = arith.constant 0 : i32
    %dma_wait3A_64 = tpu.memref_slice %arg4[%add3A_62, %dma_wait3A_63] : memref<32768x768xf32, #tpu.memory_space<hbm>> -> memref<64x768xf32, #tpu.memory_space<hbm>>
    %dma_wait3A_65 = arith.constant 0 : i32
    %dma_wait3A_66 = tpu.memref_slice %arg4[%add3A_62, %dma_wait3A_65] : memref<32768x768xf32, #tpu.memory_space<hbm>> -> memref<64x768xf32, #tpu.memory_space<hbm>>
    tpu.wait_dma2 semaphore(%arg9 : memref<!tpu.dma_semaphore, #tpu.memory_space<semaphore_mem>>) src(%arg7 : memref<64x768xf32, #tpu.memory_space<vmem>>) dst(%dma_wait3A_66 : memref<64x768xf32, #tpu.memory_space<hbm>>)
    %dma_start3A_67 = arith.constant 3 : i32
    %dma_start3A_68 = arith.constant 0 : i32
    %dma_start3A_69 = tpu.memref_slice %arg5[%dma_start3A_67, %dma_start3A_68] : memref<16x64xi32, #tpu.memory_space<vmem>> -> memref<1x64xi32, #tpu.memory_space<vmem>>
    %dma_start3A_70 = tpu.memref_squeeze %dma_start3A_69 : memref<1x64xi32, #tpu.memory_space<vmem>> -> memref<64xi32, #tpu.memory_space<vmem>>
    %dma_start3A_71 = arith.constant 0 : i32
    %dma_start3A_72 = arith.constant 0 : i32
    %dma_start3A_73 = tpu.memref_slice %arg3[%dma_start3A_71, %dma_start3A_72] : memref<8192x768xf32, #tpu.memory_space<hbm>> -> memref<8192x768xf32, #tpu.memory_space<hbm>>
    tpu.enqueue_indirect_dma source(%dma_start3A_73 : memref<8192x768xf32, #tpu.memory_space<hbm>>) target(%arg7 : memref<64x768xf32, #tpu.memory_space<vmem>>) offsets(%dma_start3A_70 : memref<64xi32, #tpu.memory_space<vmem>>) semaphore(%arg8 : memref<!tpu.dma_semaphore, #tpu.memory_space<semaphore_mem>>)
    %add3A_74 = arith.constant 128 : i32
    %add3A_75 = arith.addi %mul3A_2, %add3A_74 : i32
    %dma_start3A_76 = arith.constant 0 : i32
    %dma_start3A_77 = tpu.memref_slice %arg4[%add3A_75, %dma_start3A_76] : memref<32768x768xf32, #tpu.memory_space<hbm>> -> memref<64x768xf32, #tpu.memory_space<hbm>>
    %dma_start3A_78 = arith.constant 0 : i32
    %dma_start3A_79 = tpu.memref_slice %arg4[%add3A_75, %dma_start3A_78] : memref<32768x768xf32, #tpu.memory_space<hbm>> -> memref<64x768xf32, #tpu.memory_space<hbm>>
    tpu.enqueue_dma source(%arg6 : memref<64x768xf32, #tpu.memory_space<vmem>>) target(%dma_start3A_79 : memref<64x768xf32, #tpu.memory_space<hbm>>) target_semaphore(%arg9 : memref<!tpu.dma_semaphore, #tpu.memory_space<semaphore_mem>>)
    %dma_wait3A_80 = arith.constant 3 : i32
    %dma_wait3A_81 = arith.constant 0 : i32
    %dma_wait3A_82 = tpu.memref_slice %arg5[%dma_wait3A_80, %dma_wait3A_81] : memref<16x64xi32, #tpu.memory_space<vmem>> -> memref<1x64xi32, #tpu.memory_space<vmem>>
    %dma_wait3A_83 = tpu.memref_squeeze %dma_wait3A_82 : memref<1x64xi32, #tpu.memory_space<vmem>> -> memref<64xi32, #tpu.memory_space<vmem>>
    %dma_wait3A_84 = arith.constant 0 : i32
    %dma_wait3A_85 = arith.constant 0 : i32
    %dma_wait3A_86 = tpu.memref_slice %arg3[%dma_wait3A_84, %dma_wait3A_85] : memref<8192x768xf32, #tpu.memory_space<hbm>> -> memref<8192x768xf32, #tpu.memory_space<hbm>>
    tpu.wait_indirect_dma semaphore(%arg8 : memref<!tpu.dma_semaphore, #tpu.memory_space<semaphore_mem>>) src(%dma_wait3A_86 : memref<8192x768xf32, #tpu.memory_space<hbm>>) dst(%arg7 : memref<64x768xf32, #tpu.memory_space<vmem>>)
    %add3A_87 = arith.constant 128 : i32
    %add3A_88 = arith.addi %mul3A_2, %add3A_87 : i32
    %dma_wait3A_89 = arith.constant 0 : i32
    %dma_wait3A_90 = tpu.memref_slice %arg4[%add3A_88, %dma_wait3A_89] : memref<32768x768xf32, #tpu.memory_space<hbm>> -> memref<64x768xf32, #tpu.memory_space<hbm>>
    %dma_wait3A_91 = arith.constant 0 : i32
    %dma_wait3A_92 = tpu.memref_slice %arg4[%add3A_88, %dma_wait3A_91] : memref<32768x768xf32, #tpu.memory_space<hbm>> -> memref<64x768xf32, #tpu.memory_space<hbm>>
    tpu.wait_dma2 semaphore(%arg9 : memref<!tpu.dma_semaphore, #tpu.memory_space<semaphore_mem>>) src(%arg6 : memref<64x768xf32, #tpu.memory_space<vmem>>) dst(%dma_wait3A_92 : memref<64x768xf32, #tpu.memory_space<hbm>>)
    %dma_start3A_93 = arith.constant 4 : i32
    %dma_start3A_94 = arith.constant 0 : i32
    %dma_start3A_95 = tpu.memref_slice %arg5[%dma_start3A_93, %dma_start3A_94] : memref<16x64xi32, #tpu.memory_space<vmem>> -> memref<1x64xi32, #tpu.memory_space<vmem>>
    %dma_start3A_96 = tpu.memref_squeeze %dma_start3A_95 : memref<1x64xi32, #tpu.memory_space<vmem>> -> memref<64xi32, #tpu.memory_space<vmem>>
    %dma_start3A_97 = arith.constant 0 : i32
    %dma_start3A_98 = arith.constant 0 : i32
    %dma_start3A_99 = tpu.memref_slice %arg3[%dma_start3A_97, %dma_start3A_98] : memref<8192x768xf32, #tpu.memory_space<hbm>> -> memref<8192x768xf32, #tpu.memory_space<hbm>>
    tpu.enqueue_indirect_dma source(%dma_start3A_99 : memref<8192x768xf32, #tpu.memory_space<hbm>>) target(%arg6 : memref<64x768xf32, #tpu.memory_space<vmem>>) offsets(%dma_start3A_96 : memref<64xi32, #tpu.memory_space<vmem>>) semaphore(%arg8 : memref<!tpu.dma_semaphore, #tpu.memory_space<semaphore_mem>>)
    %add3A_100 = arith.constant 192 : i32
    %add3A_101 = arith.addi %mul3A_2, %add3A_100 : i32
    %dma_start3A_102 = arith.constant 0 : i32
    %dma_start3A_103 = tpu.memref_slice %arg4[%add3A_101, %dma_start3A_102] : memref<32768x768xf32, #tpu.memory_space<hbm>> -> memref<64x768xf32, #tpu.memory_space<hbm>>
    %dma_start3A_104 = arith.constant 0 : i32
    %dma_start3A_105 = tpu.memref_slice %arg4[%add3A_101, %dma_start3A_104] : memref<32768x768xf32, #tpu.memory_space<hbm>> -> memref<64x768xf32, #tpu.memory_space<hbm>>
    tpu.enqueue_dma source(%arg7 : memref<64x768xf32, #tpu.memory_space<vmem>>) target(%dma_start3A_105 : memref<64x768xf32, #tpu.memory_space<hbm>>) target_semaphore(%arg9 : memref<!tpu.dma_semaphore, #tpu.memory_space<semaphore_mem>>)
    %dma_wait3A_106 = arith.constant 4 : i32
    %dma_wait3A_107 = arith.constant 0 : i32
    %dma_wait3A_108 = tpu.memref_slice %arg5[%dma_wait3A_106, %dma_wait3A_107] : memref<16x64xi32, #tpu.memory_space<vmem>> -> memref<1x64xi32, #tpu.memory_space<vmem>>
    %dma_wait3A_109 = tpu.memref_squeeze %dma_wait3A_108 : memref<1x64xi32, #tpu.memory_space<vmem>> -> memref<64xi32, #tpu.memory_space<vmem>>
    %dma_wait3A_110 = arith.constant 0 : i32
    %dma_wait3A_111 = arith.constant 0 : i32
    %dma_wait3A_112 = tpu.memref_slice %arg3[%dma_wait3A_110, %dma_wait3A_111] : memref<8192x768xf32, #tpu.memory_space<hbm>> -> memref<8192x768xf32, #tpu.memory_space<hbm>>
    tpu.wait_indirect_dma semaphore(%arg8 : memref<!tpu.dma_semaphore, #tpu.memory_space<semaphore_mem>>) src(%dma_wait3A_112 : memref<8192x768xf32, #tpu.memory_space<hbm>>) dst(%arg6 : memref<64x768xf32, #tpu.memory_space<vmem>>)
    %add3A_113 = arith.constant 192 : i32
    %add3A_114 = arith.addi %mul3A_2, %add3A_113 : i32
    %dma_wait3A_115 = arith.constant 0 : i32
    %dma_wait3A_116 = tpu.memref_slice %arg4[%add3A_114, %dma_wait3A_115] : memref<32768x768xf32, #tpu.memory_space<hbm>> -> memref<64x768xf32, #tpu.memory_space<hbm>>
    %dma_wait3A_117 = arith.constant 0 : i32
    %dma_wait3A_118 = tpu.memref_slice %arg4[%add3A_114, %dma_wait3A_117] : memref<32768x768xf32, #tpu.memory_space<hbm>> -> memref<64x768xf32, #tpu.memory_space<hbm>>
    tpu.wait_dma2 semaphore(%arg9 : memref<!tpu.dma_semaphore, #tpu.memory_space<semaphore_mem>>) src(%arg7 : memref<64x768xf32, #tpu.memory_space<vmem>>) dst(%dma_wait3A_118 : memref<64x768xf32, #tpu.memory_space<hbm>>)
    %dma_start3A_119 = arith.constant 5 : i32
    %dma_start3A_120 = arith.constant 0 : i32
    %dma_start3A_121 = tpu.memref_slice %arg5[%dma_start3A_119, %dma_start3A_120] : memref<16x64xi32, #tpu.memory_space<vmem>> -> memref<1x64xi32, #tpu.memory_space<vmem>>
    %dma_start3A_122 = tpu.memref_squeeze %dma_start3A_121 : memref<1x64xi32, #tpu.memory_space<vmem>> -> memref<64xi32, #tpu.memory_space<vmem>>
    %dma_start3A_123 = arith.constant 0 : i32
    %dma_start3A_124 = arith.constant 0 : i32
    %dma_start3A_125 = tpu.memref_slice %arg3[%dma_start3A_123, %dma_start3A_124] : memref<8192x768xf32, #tpu.memory_space<hbm>> -> memref<8192x768xf32, #tpu.memory_space<hbm>>
    tpu.enqueue_indirect_dma source(%dma_start3A_125 : memref<8192x768xf32, #tpu.memory_space<hbm>>) target(%arg7 : memref<64x768xf32, #tpu.memory_space<vmem>>) offsets(%dma_start3A_122 : memref<64xi32, #tpu.memory_space<vmem>>) semaphore(%arg8 : memref<!tpu.dma_semaphore, #tpu.memory_space<semaphore_mem>>)
    %add3A_126 = arith.constant 256 : i32
    %add3A_127 = arith.addi %mul3A_2, %add3A_126 : i32
    %dma_start3A_128 = arith.constant 0 : i32
    %dma_start3A_129 = tpu.memref_slice %arg4[%add3A_127, %dma_start3A_128] : memref<32768x768xf32, #tpu.memory_space<hbm>> -> memref<64x768xf32, #tpu.memory_space<hbm>>
    %dma_start3A_130 = arith.constant 0 : i32
    %dma_start3A_131 = tpu.memref_slice %arg4[%add3A_127, %dma_start3A_130] : memref<32768x768xf32, #tpu.memory_space<hbm>> -> memref<64x768xf32, #tpu.memory_space<hbm>>
    tpu.enqueue_dma source(%arg6 : memref<64x768xf32, #tpu.memory_space<vmem>>) target(%dma_start3A_131 : memref<64x768xf32, #tpu.memory_space<hbm>>) target_semaphore(%arg9 : memref<!tpu.dma_semaphore, #tpu.memory_space<semaphore_mem>>)
    %dma_wait3A_132 = arith.constant 5 : i32
    %dma_wait3A_133 = arith.constant 0 : i32
    %dma_wait3A_134 = tpu.memref_slice %arg5[%dma_wait3A_132, %dma_wait3A_133] : memref<16x64xi32, #tpu.memory_space<vmem>> -> memref<1x64xi32, #tpu.memory_space<vmem>>
    %dma_wait3A_135 = tpu.memref_squeeze %dma_wait3A_134 : memref<1x64xi32, #tpu.memory_space<vmem>> -> memref<64xi32, #tpu.memory_space<vmem>>
    %dma_wait3A_136 = arith.constant 0 : i32
    %dma_wait3A_137 = arith.constant 0 : i32
    %dma_wait3A_138 = tpu.memref_slice %arg3[%dma_wait3A_136, %dma_wait3A_137] : memref<8192x768xf32, #tpu.memory_space<hbm>> -> memref<8192x768xf32, #tpu.memory_space<hbm>>
    tpu.wait_indirect_dma semaphore(%arg8 : memref<!tpu.dma_semaphore, #tpu.memory_space<semaphore_mem>>) src(%dma_wait3A_138 : memref<8192x768xf32, #tpu.memory_space<hbm>>) dst(%arg7 : memref<64x768xf32, #tpu.memory_space<vmem>>)
    %add3A_139 = arith.constant 256 : i32
    %add3A_140 = arith.addi %mul3A_2, %add3A_139 : i32
    %dma_wait3A_141 = arith.constant 0 : i32
    %dma_wait3A_142 = tpu.memref_slice %arg4[%add3A_140, %dma_wait3A_141] : memref<32768x768xf32, #tpu.memory_space<hbm>> -> memref<64x768xf32, #tpu.memory_space<hbm>>
    %dma_wait3A_143 = arith.constant 0 : i32
    %dma_wait3A_144 = tpu.memref_slice %arg4[%add3A_140, %dma_wait3A_143] : memref<32768x768xf32, #tpu.memory_space<hbm>> -> memref<64x768xf32, #tpu.memory_space<hbm>>
    tpu.wait_dma2 semaphore(%arg9 : memref<!tpu.dma_semaphore, #tpu.memory_space<semaphore_mem>>) src(%arg6 : memref<64x768xf32, #tpu.memory_space<vmem>>) dst(%dma_wait3A_144 : memref<64x768xf32, #tpu.memory_space<hbm>>)
    %dma_start3A_145 = arith.constant 6 : i32
    %dma_start3A_146 = arith.constant 0 : i32
    %dma_start3A_147 = tpu.memref_slice %arg5[%dma_start3A_145, %dma_start3A_146] : memref<16x64xi32, #tpu.memory_space<vmem>> -> memref<1x64xi32, #tpu.memory_space<vmem>>
    %dma_start3A_148 = tpu.memref_squeeze %dma_start3A_147 : memref<1x64xi32, #tpu.memory_space<vmem>> -> memref<64xi32, #tpu.memory_space<vmem>>
    %dma_start3A_149 = arith.constant 0 : i32
    %dma_start3A_150 = arith.constant 0 : i32
    %dma_start3A_151 = tpu.memref_slice %arg3[%dma_start3A_149, %dma_start3A_150] : memref<8192x768xf32, #tpu.memory_space<hbm>> -> memref<8192x768xf32, #tpu.memory_space<hbm>>
    tpu.enqueue_indirect_dma source(%dma_start3A_151 : memref<8192x768xf32, #tpu.memory_space<hbm>>) target(%arg6 : memref<64x768xf32, #tpu.memory_space<vmem>>) offsets(%dma_start3A_148 : memref<64xi32, #tpu.memory_space<vmem>>) semaphore(%arg8 : memref<!tpu.dma_semaphore, #tpu.memory_space<semaphore_mem>>)
    %add3A_152 = arith.constant 320 : i32
    %add3A_153 = arith.addi %mul3A_2, %add3A_152 : i32
    %dma_start3A_154 = arith.constant 0 : i32
    %dma_start3A_155 = tpu.memref_slice %arg4[%add3A_153, %dma_start3A_154] : memref<32768x768xf32, #tpu.memory_space<hbm>> -> memref<64x768xf32, #tpu.memory_space<hbm>>
    %dma_start3A_156 = arith.constant 0 : i32
    %dma_start3A_157 = tpu.memref_slice %arg4[%add3A_153, %dma_start3A_156] : memref<32768x768xf32, #tpu.memory_space<hbm>> -> memref<64x768xf32, #tpu.memory_space<hbm>>
    tpu.enqueue_dma source(%arg7 : memref<64x768xf32, #tpu.memory_space<vmem>>) target(%dma_start3A_157 : memref<64x768xf32, #tpu.memory_space<hbm>>) target_semaphore(%arg9 : memref<!tpu.dma_semaphore, #tpu.memory_space<semaphore_mem>>)
    %dma_wait3A_158 = arith.constant 6 : i32
    %dma_wait3A_159 = arith.constant 0 : i32
    %dma_wait3A_160 = tpu.memref_slice %arg5[%dma_wait3A_158, %dma_wait3A_159] : memref<16x64xi32, #tpu.memory_space<vmem>> -> memref<1x64xi32, #tpu.memory_space<vmem>>
    %dma_wait3A_161 = tpu.memref_squeeze %dma_wait3A_160 : memref<1x64xi32, #tpu.memory_space<vmem>> -> memref<64xi32, #tpu.memory_space<vmem>>
    %dma_wait3A_162 = arith.constant 0 : i32
    %dma_wait3A_163 = arith.constant 0 : i32
    %dma_wait3A_164 = tpu.memref_slice %arg3[%dma_wait3A_162, %dma_wait3A_163] : memref<8192x768xf32, #tpu.memory_space<hbm>> -> memref<8192x768xf32, #tpu.memory_space<hbm>>
    tpu.wait_indirect_dma semaphore(%arg8 : memref<!tpu.dma_semaphore, #tpu.memory_space<semaphore_mem>>) src(%dma_wait3A_164 : memref<8192x768xf32, #tpu.memory_space<hbm>>) dst(%arg6 : memref<64x768xf32, #tpu.memory_space<vmem>>)
    %add3A_165 = arith.constant 320 : i32
    %add3A_166 = arith.addi %mul3A_2, %add3A_165 : i32
    %dma_wait3A_167 = arith.constant 0 : i32
    %dma_wait3A_168 = tpu.memref_slice %arg4[%add3A_166, %dma_wait3A_167] : memref<32768x768xf32, #tpu.memory_space<hbm>> -> memref<64x768xf32, #tpu.memory_space<hbm>>
    %dma_wait3A_169 = arith.constant 0 : i32
    %dma_wait3A_170 = tpu.memref_slice %arg4[%add3A_166, %dma_wait3A_169] : memref<32768x768xf32, #tpu.memory_space<hbm>> -> memref<64x768xf32, #tpu.memory_space<hbm>>
    tpu.wait_dma2 semaphore(%arg9 : memref<!tpu.dma_semaphore, #tpu.memory_space<semaphore_mem>>) src(%arg7 : memref<64x768xf32, #tpu.memory_space<vmem>>) dst(%dma_wait3A_170 : memref<64x768xf32, #tpu.memory_space<hbm>>)
    %dma_start3A_171 = arith.constant 7 : i32
    %dma_start3A_172 = arith.constant 0 : i32
    %dma_start3A_173 = tpu.memref_slice %arg5[%dma_start3A_171, %dma_start3A_172] : memref<16x64xi32, #tpu.memory_space<vmem>> -> memref<1x64xi32, #tpu.memory_space<vmem>>
    %dma_start3A_174 = tpu.memref_squeeze %dma_start3A_173 : memref<1x64xi32, #tpu.memory_space<vmem>> -> memref<64xi32, #tpu.memory_space<vmem>>
    %dma_start3A_175 = arith.constant 0 : i32
    %dma_start3A_176 = arith.constant 0 : i32
    %dma_start3A_177 = tpu.memref_slice %arg3[%dma_start3A_175, %dma_start3A_176] : memref<8192x768xf32, #tpu.memory_space<hbm>> -> memref<8192x768xf32, #tpu.memory_space<hbm>>
    tpu.enqueue_indirect_dma source(%dma_start3A_177 : memref<8192x768xf32, #tpu.memory_space<hbm>>) target(%arg7 : memref<64x768xf32, #tpu.memory_space<vmem>>) offsets(%dma_start3A_174 : memref<64xi32, #tpu.memory_space<vmem>>) semaphore(%arg8 : memref<!tpu.dma_semaphore, #tpu.memory_space<semaphore_mem>>)
    %add3A_178 = arith.constant 384 : i32
    %add3A_179 = arith.addi %mul3A_2, %add3A_178 : i32
    %dma_start3A_180 = arith.constant 0 : i32
    %dma_start3A_181 = tpu.memref_slice %arg4[%add3A_179, %dma_start3A_180] : memref<32768x768xf32, #tpu.memory_space<hbm>> -> memref<64x768xf32, #tpu.memory_space<hbm>>
    %dma_start3A_182 = arith.constant 0 : i32
    %dma_start3A_183 = tpu.memref_slice %arg4[%add3A_179, %dma_start3A_182] : memref<32768x768xf32, #tpu.memory_space<hbm>> -> memref<64x768xf32, #tpu.memory_space<hbm>>
    tpu.enqueue_dma source(%arg6 : memref<64x768xf32, #tpu.memory_space<vmem>>) target(%dma_start3A_183 : memref<64x768xf32, #tpu.memory_space<hbm>>) target_semaphore(%arg9 : memref<!tpu.dma_semaphore, #tpu.memory_space<semaphore_mem>>)
    %dma_wait3A_184 = arith.constant 7 : i32
    %dma_wait3A_185 = arith.constant 0 : i32
    %dma_wait3A_186 = tpu.memref_slice %arg5[%dma_wait3A_184, %dma_wait3A_185] : memref<16x64xi32, #tpu.memory_space<vmem>> -> memref<1x64xi32, #tpu.memory_space<vmem>>
    %dma_wait3A_187 = tpu.memref_squeeze %dma_wait3A_186 : memref<1x64xi32, #tpu.memory_space<vmem>> -> memref<64xi32, #tpu.memory_space<vmem>>
    %dma_wait3A_188 = arith.constant 0 : i32
    %dma_wait3A_189 = arith.constant 0 : i32
    %dma_wait3A_190 = tpu.memref_slice %arg3[%dma_wait3A_188, %dma_wait3A_189] : memref<8192x768xf32, #tpu.memory_space<hbm>> -> memref<8192x768xf32, #tpu.memory_space<hbm>>
    tpu.wait_indirect_dma semaphore(%arg8 : memref<!tpu.dma_semaphore, #tpu.memory_space<semaphore_mem>>) src(%dma_wait3A_190 : memref<8192x768xf32, #tpu.memory_space<hbm>>) dst(%arg7 : memref<64x768xf32, #tpu.memory_space<vmem>>)
    %add3A_191 = arith.constant 384 : i32
    %add3A_192 = arith.addi %mul3A_2, %add3A_191 : i32
    %dma_wait3A_193 = arith.constant 0 : i32
    %dma_wait3A_194 = tpu.memref_slice %arg4[%add3A_192, %dma_wait3A_193] : memref<32768x768xf32, #tpu.memory_space<hbm>> -> memref<64x768xf32, #tpu.memory_space<hbm>>
    %dma_wait3A_195 = arith.constant 0 : i32
    %dma_wait3A_196 = tpu.memref_slice %arg4[%add3A_192, %dma_wait3A_195] : memref<32768x768xf32, #tpu.memory_space<hbm>> -> memref<64x768xf32, #tpu.memory_space<hbm>>
    tpu.wait_dma2 semaphore(%arg9 : memref<!tpu.dma_semaphore, #tpu.memory_space<semaphore_mem>>) src(%arg6 : memref<64x768xf32, #tpu.memory_space<vmem>>) dst(%dma_wait3A_196 : memref<64x768xf32, #tpu.memory_space<hbm>>)
    %dma_start3A_197 = arith.constant 8 : i32
    %dma_start3A_198 = arith.constant 0 : i32
    %dma_start3A_199 = tpu.memref_slice %arg5[%dma_start3A_197, %dma_start3A_198] : memref<16x64xi32, #tpu.memory_space<vmem>> -> memref<1x64xi32, #tpu.memory_space<vmem>>
    %dma_start3A_200 = tpu.memref_squeeze %dma_start3A_199 : memref<1x64xi32, #tpu.memory_space<vmem>> -> memref<64xi32, #tpu.memory_space<vmem>>
    %dma_start3A_201 = arith.constant 0 : i32
    %dma_start3A_202 = arith.constant 0 : i32
    %dma_start3A_203 = tpu.memref_slice %arg3[%dma_start3A_201, %dma_start3A_202] : memref<8192x768xf32, #tpu.memory_space<hbm>> -> memref<8192x768xf32, #tpu.memory_space<hbm>>
    tpu.enqueue_indirect_dma source(%dma_start3A_203 : memref<8192x768xf32, #tpu.memory_space<hbm>>) target(%arg6 : memref<64x768xf32, #tpu.memory_space<vmem>>) offsets(%dma_start3A_200 : memref<64xi32, #tpu.memory_space<vmem>>) semaphore(%arg8 : memref<!tpu.dma_semaphore, #tpu.memory_space<semaphore_mem>>)
    %add3A_204 = arith.constant 448 : i32
    %add3A_205 = arith.addi %mul3A_2, %add3A_204 : i32
    %dma_start3A_206 = arith.constant 0 : i32
    %dma_start3A_207 = tpu.memref_slice %arg4[%add3A_205, %dma_start3A_206] : memref<32768x768xf32, #tpu.memory_space<hbm>> -> memref<64x768xf32, #tpu.memory_space<hbm>>
    %dma_start3A_208 = arith.constant 0 : i32
    %dma_start3A_209 = tpu.memref_slice %arg4[%add3A_205, %dma_start3A_208] : memref<32768x768xf32, #tpu.memory_space<hbm>> -> memref<64x768xf32, #tpu.memory_space<hbm>>
    tpu.enqueue_dma source(%arg7 : memref<64x768xf32, #tpu.memory_space<vmem>>) target(%dma_start3A_209 : memref<64x768xf32, #tpu.memory_space<hbm>>) target_semaphore(%arg9 : memref<!tpu.dma_semaphore, #tpu.memory_space<semaphore_mem>>)
    %dma_wait3A_210 = arith.constant 8 : i32
    %dma_wait3A_211 = arith.constant 0 : i32
    %dma_wait3A_212 = tpu.memref_slice %arg5[%dma_wait3A_210, %dma_wait3A_211] : memref<16x64xi32, #tpu.memory_space<vmem>> -> memref<1x64xi32, #tpu.memory_space<vmem>>
    %dma_wait3A_213 = tpu.memref_squeeze %dma_wait3A_212 : memref<1x64xi32, #tpu.memory_space<vmem>> -> memref<64xi32, #tpu.memory_space<vmem>>
    %dma_wait3A_214 = arith.constant 0 : i32
    %dma_wait3A_215 = arith.constant 0 : i32
    %dma_wait3A_216 = tpu.memref_slice %arg3[%dma_wait3A_214, %dma_wait3A_215] : memref<8192x768xf32, #tpu.memory_space<hbm>> -> memref<8192x768xf32, #tpu.memory_space<hbm>>
    tpu.wait_indirect_dma semaphore(%arg8 : memref<!tpu.dma_semaphore, #tpu.memory_space<semaphore_mem>>) src(%dma_wait3A_216 : memref<8192x768xf32, #tpu.memory_space<hbm>>) dst(%arg6 : memref<64x768xf32, #tpu.memory_space<vmem>>)
    %add3A_217 = arith.constant 448 : i32
    %add3A_218 = arith.addi %mul3A_2, %add3A_217 : i32
    %dma_wait3A_219 = arith.constant 0 : i32
    %dma_wait3A_220 = tpu.memref_slice %arg4[%add3A_218, %dma_wait3A_219] : memref<32768x768xf32, #tpu.memory_space<hbm>> -> memref<64x768xf32, #tpu.memory_space<hbm>>
    %dma_wait3A_221 = arith.constant 0 : i32
    %dma_wait3A_222 = tpu.memref_slice %arg4[%add3A_218, %dma_wait3A_221] : memref<32768x768xf32, #tpu.memory_space<hbm>> -> memref<64x768xf32, #tpu.memory_space<hbm>>
    tpu.wait_dma2 semaphore(%arg9 : memref<!tpu.dma_semaphore, #tpu.memory_space<semaphore_mem>>) src(%arg7 : memref<64x768xf32, #tpu.memory_space<vmem>>) dst(%dma_wait3A_222 : memref<64x768xf32, #tpu.memory_space<hbm>>)
    %dma_start3A_223 = arith.constant 9 : i32
    %dma_start3A_224 = arith.constant 0 : i32
    %dma_start3A_225 = tpu.memref_slice %arg5[%dma_start3A_223, %dma_start3A_224] : memref<16x64xi32, #tpu.memory_space<vmem>> -> memref<1x64xi32, #tpu.memory_space<vmem>>
    %dma_start3A_226 = tpu.memref_squeeze %dma_start3A_225 : memref<1x64xi32, #tpu.memory_space<vmem>> -> memref<64xi32, #tpu.memory_space<vmem>>
    %dma_start3A_227 = arith.constant 0 : i32
    %dma_start3A_228 = arith.constant 0 : i32
    %dma_start3A_229 = tpu.memref_slice %arg3[%dma_start3A_227, %dma_start3A_228] : memref<8192x768xf32, #tpu.memory_space<hbm>> -> memref<8192x768xf32, #tpu.memory_space<hbm>>
    tpu.enqueue_indirect_dma source(%dma_start3A_229 : memref<8192x768xf32, #tpu.memory_space<hbm>>) target(%arg7 : memref<64x768xf32, #tpu.memory_space<vmem>>) offsets(%dma_start3A_226 : memref<64xi32, #tpu.memory_space<vmem>>) semaphore(%arg8 : memref<!tpu.dma_semaphore, #tpu.memory_space<semaphore_mem>>)
    %add3A_230 = arith.constant 512 : i32
    %add3A_231 = arith.addi %mul3A_2, %add3A_230 : i32
    %dma_start3A_232 = arith.constant 0 : i32
    %dma_start3A_233 = tpu.memref_slice %arg4[%add3A_231, %dma_start3A_232] : memref<32768x768xf32, #tpu.memory_space<hbm>> -> memref<64x768xf32, #tpu.memory_space<hbm>>
    %dma_start3A_234 = arith.constant 0 : i32
    %dma_start3A_235 = tpu.memref_slice %arg4[%add3A_231, %dma_start3A_234] : memref<32768x768xf32, #tpu.memory_space<hbm>> -> memref<64x768xf32, #tpu.memory_space<hbm>>
    tpu.enqueue_dma source(%arg6 : memref<64x768xf32, #tpu.memory_space<vmem>>) target(%dma_start3A_235 : memref<64x768xf32, #tpu.memory_space<hbm>>) target_semaphore(%arg9 : memref<!tpu.dma_semaphore, #tpu.memory_space<semaphore_mem>>)
    %dma_wait3A_236 = arith.constant 9 : i32
    %dma_wait3A_237 = arith.constant 0 : i32
    %dma_wait3A_238 = tpu.memref_slice %arg5[%dma_wait3A_236, %dma_wait3A_237] : memref<16x64xi32, #tpu.memory_space<vmem>> -> memref<1x64xi32, #tpu.memory_space<vmem>>
    %dma_wait3A_239 = tpu.memref_squeeze %dma_wait3A_238 : memref<1x64xi32, #tpu.memory_space<vmem>> -> memref<64xi32, #tpu.memory_space<vmem>>
    %dma_wait3A_240 = arith.constant 0 : i32
    %dma_wait3A_241 = arith.constant 0 : i32
    %dma_wait3A_242 = tpu.memref_slice %arg3[%dma_wait3A_240, %dma_wait3A_241] : memref<8192x768xf32, #tpu.memory_space<hbm>> -> memref<8192x768xf32, #tpu.memory_space<hbm>>
    tpu.wait_indirect_dma semaphore(%arg8 : memref<!tpu.dma_semaphore, #tpu.memory_space<semaphore_mem>>) src(%dma_wait3A_242 : memref<8192x768xf32, #tpu.memory_space<hbm>>) dst(%arg7 : memref<64x768xf32, #tpu.memory_space<vmem>>)
    %add3A_243 = arith.constant 512 : i32
    %add3A_244 = arith.addi %mul3A_2, %add3A_243 : i32
    %dma_wait3A_245 = arith.constant 0 : i32
    %dma_wait3A_246 = tpu.memref_slice %arg4[%add3A_244, %dma_wait3A_245] : memref<32768x768xf32, #tpu.memory_space<hbm>> -> memref<64x768xf32, #tpu.memory_space<hbm>>
    %dma_wait3A_247 = arith.constant 0 : i32
    %dma_wait3A_248 = tpu.memref_slice %arg4[%add3A_244, %dma_wait3A_247] : memref<32768x768xf32, #tpu.memory_space<hbm>> -> memref<64x768xf32, #tpu.memory_space<hbm>>
    tpu.wait_dma2 semaphore(%arg9 : memref<!tpu.dma_semaphore, #tpu.memory_space<semaphore_mem>>) src(%arg6 : memref<64x768xf32, #tpu.memory_space<vmem>>) dst(%dma_wait3A_248 : memref<64x768xf32, #tpu.memory_space<hbm>>)
    %dma_start3A_249 = arith.constant 10 : i32
    %dma_start3A_250 = arith.constant 0 : i32
    %dma_start3A_251 = tpu.memref_slice %arg5[%dma_start3A_249, %dma_start3A_250] : memref<16x64xi32, #tpu.memory_space<vmem>> -> memref<1x64xi32, #tpu.memory_space<vmem>>
    %dma_start3A_252 = tpu.memref_squeeze %dma_start3A_251 : memref<1x64xi32, #tpu.memory_space<vmem>> -> memref<64xi32, #tpu.memory_space<vmem>>
    %dma_start3A_253 = arith.constant 0 : i32
    %dma_start3A_254 = arith.constant 0 : i32
    %dma_start3A_255 = tpu.memref_slice %arg3[%dma_start3A_253, %dma_start3A_254] : memref<8192x768xf32, #tpu.memory_space<hbm>> -> memref<8192x768xf32, #tpu.memory_space<hbm>>
    tpu.enqueue_indirect_dma source(%dma_start3A_255 : memref<8192x768xf32, #tpu.memory_space<hbm>>) target(%arg6 : memref<64x768xf32, #tpu.memory_space<vmem>>) offsets(%dma_start3A_252 : memref<64xi32, #tpu.memory_space<vmem>>) semaphore(%arg8 : memref<!tpu.dma_semaphore, #tpu.memory_space<semaphore_mem>>)
    %add3A_256 = arith.constant 576 : i32
    %add3A_257 = arith.addi %mul3A_2, %add3A_256 : i32
    %dma_start3A_258 = arith.constant 0 : i32
    %dma_start3A_259 = tpu.memref_slice %arg4[%add3A_257, %dma_start3A_258] : memref<32768x768xf32, #tpu.memory_space<hbm>> -> memref<64x768xf32, #tpu.memory_space<hbm>>
    %dma_start3A_260 = arith.constant 0 : i32
    %dma_start3A_261 = tpu.memref_slice %arg4[%add3A_257, %dma_start3A_260] : memref<32768x768xf32, #tpu.memory_space<hbm>> -> memref<64x768xf32, #tpu.memory_space<hbm>>
    tpu.enqueue_dma source(%arg7 : memref<64x768xf32, #tpu.memory_space<vmem>>) target(%dma_start3A_261 : memref<64x768xf32, #tpu.memory_space<hbm>>) target_semaphore(%arg9 : memref<!tpu.dma_semaphore, #tpu.memory_space<semaphore_mem>>)
    %dma_wait3A_262 = arith.constant 10 : i32
    %dma_wait3A_263 = arith.constant 0 : i32
    %dma_wait3A_264 = tpu.memref_slice %arg5[%dma_wait3A_262, %dma_wait3A_263] : memref<16x64xi32, #tpu.memory_space<vmem>> -> memref<1x64xi32, #tpu.memory_space<vmem>>
    %dma_wait3A_265 = tpu.memref_squeeze %dma_wait3A_264 : memref<1x64xi32, #tpu.memory_space<vmem>> -> memref<64xi32, #tpu.memory_space<vmem>>
    %dma_wait3A_266 = arith.constant 0 : i32
    %dma_wait3A_267 = arith.constant 0 : i32
    %dma_wait3A_268 = tpu.memref_slice %arg3[%dma_wait3A_266, %dma_wait3A_267] : memref<8192x768xf32, #tpu.memory_space<hbm>> -> memref<8192x768xf32, #tpu.memory_space<hbm>>
    tpu.wait_indirect_dma semaphore(%arg8 : memref<!tpu.dma_semaphore, #tpu.memory_space<semaphore_mem>>) src(%dma_wait3A_268 : memref<8192x768xf32, #tpu.memory_space<hbm>>) dst(%arg6 : memref<64x768xf32, #tpu.memory_space<vmem>>)
    %add3A_269 = arith.constant 576 : i32
    %add3A_270 = arith.addi %mul3A_2, %add3A_269 : i32
    %dma_wait3A_271 = arith.constant 0 : i32
    %dma_wait3A_272 = tpu.memref_slice %arg4[%add3A_270, %dma_wait3A_271] : memref<32768x768xf32, #tpu.memory_space<hbm>> -> memref<64x768xf32, #tpu.memory_space<hbm>>
    %dma_wait3A_273 = arith.constant 0 : i32
    %dma_wait3A_274 = tpu.memref_slice %arg4[%add3A_270, %dma_wait3A_273] : memref<32768x768xf32, #tpu.memory_space<hbm>> -> memref<64x768xf32, #tpu.memory_space<hbm>>
    tpu.wait_dma2 semaphore(%arg9 : memref<!tpu.dma_semaphore, #tpu.memory_space<semaphore_mem>>) src(%arg7 : memref<64x768xf32, #tpu.memory_space<vmem>>) dst(%dma_wait3A_274 : memref<64x768xf32, #tpu.memory_space<hbm>>)
    %dma_start3A_275 = arith.constant 11 : i32
    %dma_start3A_276 = arith.constant 0 : i32
    %dma_start3A_277 = tpu.memref_slice %arg5[%dma_start3A_275, %dma_start3A_276] : memref<16x64xi32, #tpu.memory_space<vmem>> -> memref<1x64xi32, #tpu.memory_space<vmem>>
    %dma_start3A_278 = tpu.memref_squeeze %dma_start3A_277 : memref<1x64xi32, #tpu.memory_space<vmem>> -> memref<64xi32, #tpu.memory_space<vmem>>
    %dma_start3A_279 = arith.constant 0 : i32
    %dma_start3A_280 = arith.constant 0 : i32
    %dma_start3A_281 = tpu.memref_slice %arg3[%dma_start3A_279, %dma_start3A_280] : memref<8192x768xf32, #tpu.memory_space<hbm>> -> memref<8192x768xf32, #tpu.memory_space<hbm>>
    tpu.enqueue_indirect_dma source(%dma_start3A_281 : memref<8192x768xf32, #tpu.memory_space<hbm>>) target(%arg7 : memref<64x768xf32, #tpu.memory_space<vmem>>) offsets(%dma_start3A_278 : memref<64xi32, #tpu.memory_space<vmem>>) semaphore(%arg8 : memref<!tpu.dma_semaphore, #tpu.memory_space<semaphore_mem>>)
    %add3A_282 = arith.constant 640 : i32
    %add3A_283 = arith.addi %mul3A_2, %add3A_282 : i32
    %dma_start3A_284 = arith.constant 0 : i32
    %dma_start3A_285 = tpu.memref_slice %arg4[%add3A_283, %dma_start3A_284] : memref<32768x768xf32, #tpu.memory_space<hbm>> -> memref<64x768xf32, #tpu.memory_space<hbm>>
    %dma_start3A_286 = arith.constant 0 : i32
    %dma_start3A_287 = tpu.memref_slice %arg4[%add3A_283, %dma_start3A_286] : memref<32768x768xf32, #tpu.memory_space<hbm>> -> memref<64x768xf32, #tpu.memory_space<hbm>>
    tpu.enqueue_dma source(%arg6 : memref<64x768xf32, #tpu.memory_space<vmem>>) target(%dma_start3A_287 : memref<64x768xf32, #tpu.memory_space<hbm>>) target_semaphore(%arg9 : memref<!tpu.dma_semaphore, #tpu.memory_space<semaphore_mem>>)
    %dma_wait3A_288 = arith.constant 11 : i32
    %dma_wait3A_289 = arith.constant 0 : i32
    %dma_wait3A_290 = tpu.memref_slice %arg5[%dma_wait3A_288, %dma_wait3A_289] : memref<16x64xi32, #tpu.memory_space<vmem>> -> memref<1x64xi32, #tpu.memory_space<vmem>>
    %dma_wait3A_291 = tpu.memref_squeeze %dma_wait3A_290 : memref<1x64xi32, #tpu.memory_space<vmem>> -> memref<64xi32, #tpu.memory_space<vmem>>
    %dma_wait3A_292 = arith.constant 0 : i32
    %dma_wait3A_293 = arith.constant 0 : i32
    %dma_wait3A_294 = tpu.memref_slice %arg3[%dma_wait3A_292, %dma_wait3A_293] : memref<8192x768xf32, #tpu.memory_space<hbm>> -> memref<8192x768xf32, #tpu.memory_space<hbm>>
    tpu.wait_indirect_dma semaphore(%arg8 : memref<!tpu.dma_semaphore, #tpu.memory_space<semaphore_mem>>) src(%dma_wait3A_294 : memref<8192x768xf32, #tpu.memory_space<hbm>>) dst(%arg7 : memref<64x768xf32, #tpu.memory_space<vmem>>)
    %add3A_295 = arith.constant 640 : i32
    %add3A_296 = arith.addi %mul3A_2, %add3A_295 : i32
    %dma_wait3A_297 = arith.constant 0 : i32
    %dma_wait3A_298 = tpu.memref_slice %arg4[%add3A_296, %dma_wait3A_297] : memref<32768x768xf32, #tpu.memory_space<hbm>> -> memref<64x768xf32, #tpu.memory_space<hbm>>
    %dma_wait3A_299 = arith.constant 0 : i32
    %dma_wait3A_300 = tpu.memref_slice %arg4[%add3A_296, %dma_wait3A_299] : memref<32768x768xf32, #tpu.memory_space<hbm>> -> memref<64x768xf32, #tpu.memory_space<hbm>>
    tpu.wait_dma2 semaphore(%arg9 : memref<!tpu.dma_semaphore, #tpu.memory_space<semaphore_mem>>) src(%arg6 : memref<64x768xf32, #tpu.memory_space<vmem>>) dst(%dma_wait3A_300 : memref<64x768xf32, #tpu.memory_space<hbm>>)
    %dma_start3A_301 = arith.constant 12 : i32
    %dma_start3A_302 = arith.constant 0 : i32
    %dma_start3A_303 = tpu.memref_slice %arg5[%dma_start3A_301, %dma_start3A_302] : memref<16x64xi32, #tpu.memory_space<vmem>> -> memref<1x64xi32, #tpu.memory_space<vmem>>
    %dma_start3A_304 = tpu.memref_squeeze %dma_start3A_303 : memref<1x64xi32, #tpu.memory_space<vmem>> -> memref<64xi32, #tpu.memory_space<vmem>>
    %dma_start3A_305 = arith.constant 0 : i32
    %dma_start3A_306 = arith.constant 0 : i32
    %dma_start3A_307 = tpu.memref_slice %arg3[%dma_start3A_305, %dma_start3A_306] : memref<8192x768xf32, #tpu.memory_space<hbm>> -> memref<8192x768xf32, #tpu.memory_space<hbm>>
    tpu.enqueue_indirect_dma source(%dma_start3A_307 : memref<8192x768xf32, #tpu.memory_space<hbm>>) target(%arg6 : memref<64x768xf32, #tpu.memory_space<vmem>>) offsets(%dma_start3A_304 : memref<64xi32, #tpu.memory_space<vmem>>) semaphore(%arg8 : memref<!tpu.dma_semaphore, #tpu.memory_space<semaphore_mem>>)
    %add3A_308 = arith.constant 704 : i32
    %add3A_309 = arith.addi %mul3A_2, %add3A_308 : i32
    %dma_start3A_310 = arith.constant 0 : i32
    %dma_start3A_311 = tpu.memref_slice %arg4[%add3A_309, %dma_start3A_310] : memref<32768x768xf32, #tpu.memory_space<hbm>> -> memref<64x768xf32, #tpu.memory_space<hbm>>
    %dma_start3A_312 = arith.constant 0 : i32
    %dma_start3A_313 = tpu.memref_slice %arg4[%add3A_309, %dma_start3A_312] : memref<32768x768xf32, #tpu.memory_space<hbm>> -> memref<64x768xf32, #tpu.memory_space<hbm>>
    tpu.enqueue_dma source(%arg7 : memref<64x768xf32, #tpu.memory_space<vmem>>) target(%dma_start3A_313 : memref<64x768xf32, #tpu.memory_space<hbm>>) target_semaphore(%arg9 : memref<!tpu.dma_semaphore, #tpu.memory_space<semaphore_mem>>)
    %dma_wait3A_314 = arith.constant 12 : i32
    %dma_wait3A_315 = arith.constant 0 : i32
    %dma_wait3A_316 = tpu.memref_slice %arg5[%dma_wait3A_314, %dma_wait3A_315] : memref<16x64xi32, #tpu.memory_space<vmem>> -> memref<1x64xi32, #tpu.memory_space<vmem>>
    %dma_wait3A_317 = tpu.memref_squeeze %dma_wait3A_316 : memref<1x64xi32, #tpu.memory_space<vmem>> -> memref<64xi32, #tpu.memory_space<vmem>>
    %dma_wait3A_318 = arith.constant 0 : i32
    %dma_wait3A_319 = arith.constant 0 : i32
    %dma_wait3A_320 = tpu.memref_slice %arg3[%dma_wait3A_318, %dma_wait3A_319] : memref<8192x768xf32, #tpu.memory_space<hbm>> -> memref<8192x768xf32, #tpu.memory_space<hbm>>
    tpu.wait_indirect_dma semaphore(%arg8 : memref<!tpu.dma_semaphore, #tpu.memory_space<semaphore_mem>>) src(%dma_wait3A_320 : memref<8192x768xf32, #tpu.memory_space<hbm>>) dst(%arg6 : memref<64x768xf32, #tpu.memory_space<vmem>>)
    %add3A_321 = arith.constant 704 : i32
    %add3A_322 = arith.addi %mul3A_2, %add3A_321 : i32
    %dma_wait3A_323 = arith.constant 0 : i32
    %dma_wait3A_324 = tpu.memref_slice %arg4[%add3A_322, %dma_wait3A_323] : memref<32768x768xf32, #tpu.memory_space<hbm>> -> memref<64x768xf32, #tpu.memory_space<hbm>>
    %dma_wait3A_325 = arith.constant 0 : i32
    %dma_wait3A_326 = tpu.memref_slice %arg4[%add3A_322, %dma_wait3A_325] : memref<32768x768xf32, #tpu.memory_space<hbm>> -> memref<64x768xf32, #tpu.memory_space<hbm>>
    tpu.wait_dma2 semaphore(%arg9 : memref<!tpu.dma_semaphore, #tpu.memory_space<semaphore_mem>>) src(%arg7 : memref<64x768xf32, #tpu.memory_space<vmem>>) dst(%dma_wait3A_326 : memref<64x768xf32, #tpu.memory_space<hbm>>)
    %dma_start3A_327 = arith.constant 13 : i32
    %dma_start3A_328 = arith.constant 0 : i32
    %dma_start3A_329 = tpu.memref_slice %arg5[%dma_start3A_327, %dma_start3A_328] : memref<16x64xi32, #tpu.memory_space<vmem>> -> memref<1x64xi32, #tpu.memory_space<vmem>>
    %dma_start3A_330 = tpu.memref_squeeze %dma_start3A_329 : memref<1x64xi32, #tpu.memory_space<vmem>> -> memref<64xi32, #tpu.memory_space<vmem>>
    %dma_start3A_331 = arith.constant 0 : i32
    %dma_start3A_332 = arith.constant 0 : i32
    %dma_start3A_333 = tpu.memref_slice %arg3[%dma_start3A_331, %dma_start3A_332] : memref<8192x768xf32, #tpu.memory_space<hbm>> -> memref<8192x768xf32, #tpu.memory_space<hbm>>
    tpu.enqueue_indirect_dma source(%dma_start3A_333 : memref<8192x768xf32, #tpu.memory_space<hbm>>) target(%arg7 : memref<64x768xf32, #tpu.memory_space<vmem>>) offsets(%dma_start3A_330 : memref<64xi32, #tpu.memory_space<vmem>>) semaphore(%arg8 : memref<!tpu.dma_semaphore, #tpu.memory_space<semaphore_mem>>)
    %add3A_334 = arith.constant 768 : i32
    %add3A_335 = arith.addi %mul3A_2, %add3A_334 : i32
    %dma_start3A_336 = arith.constant 0 : i32
    %dma_start3A_337 = tpu.memref_slice %arg4[%add3A_335, %dma_start3A_336] : memref<32768x768xf32, #tpu.memory_space<hbm>> -> memref<64x768xf32, #tpu.memory_space<hbm>>
    %dma_start3A_338 = arith.constant 0 : i32
    %dma_start3A_339 = tpu.memref_slice %arg4[%add3A_335, %dma_start3A_338] : memref<32768x768xf32, #tpu.memory_space<hbm>> -> memref<64x768xf32, #tpu.memory_space<hbm>>
    tpu.enqueue_dma source(%arg6 : memref<64x768xf32, #tpu.memory_space<vmem>>) target(%dma_start3A_339 : memref<64x768xf32, #tpu.memory_space<hbm>>) target_semaphore(%arg9 : memref<!tpu.dma_semaphore, #tpu.memory_space<semaphore_mem>>)
    %dma_wait3A_340 = arith.constant 13 : i32
    %dma_wait3A_341 = arith.constant 0 : i32
    %dma_wait3A_342 = tpu.memref_slice %arg5[%dma_wait3A_340, %dma_wait3A_341] : memref<16x64xi32, #tpu.memory_space<vmem>> -> memref<1x64xi32, #tpu.memory_space<vmem>>
    %dma_wait3A_343 = tpu.memref_squeeze %dma_wait3A_342 : memref<1x64xi32, #tpu.memory_space<vmem>> -> memref<64xi32, #tpu.memory_space<vmem>>
    %dma_wait3A_344 = arith.constant 0 : i32
    %dma_wait3A_345 = arith.constant 0 : i32
    %dma_wait3A_346 = tpu.memref_slice %arg3[%dma_wait3A_344, %dma_wait3A_345] : memref<8192x768xf32, #tpu.memory_space<hbm>> -> memref<8192x768xf32, #tpu.memory_space<hbm>>
    tpu.wait_indirect_dma semaphore(%arg8 : memref<!tpu.dma_semaphore, #tpu.memory_space<semaphore_mem>>) src(%dma_wait3A_346 : memref<8192x768xf32, #tpu.memory_space<hbm>>) dst(%arg7 : memref<64x768xf32, #tpu.memory_space<vmem>>)
    %add3A_347 = arith.constant 768 : i32
    %add3A_348 = arith.addi %mul3A_2, %add3A_347 : i32
    %dma_wait3A_349 = arith.constant 0 : i32
    %dma_wait3A_350 = tpu.memref_slice %arg4[%add3A_348, %dma_wait3A_349] : memref<32768x768xf32, #tpu.memory_space<hbm>> -> memref<64x768xf32, #tpu.memory_space<hbm>>
    %dma_wait3A_351 = arith.constant 0 : i32
    %dma_wait3A_352 = tpu.memref_slice %arg4[%add3A_348, %dma_wait3A_351] : memref<32768x768xf32, #tpu.memory_space<hbm>> -> memref<64x768xf32, #tpu.memory_space<hbm>>
    tpu.wait_dma2 semaphore(%arg9 : memref<!tpu.dma_semaphore, #tpu.memory_space<semaphore_mem>>) src(%arg6 : memref<64x768xf32, #tpu.memory_space<vmem>>) dst(%dma_wait3A_352 : memref<64x768xf32, #tpu.memory_space<hbm>>)
    %dma_start3A_353 = arith.constant 14 : i32
    %dma_start3A_354 = arith.constant 0 : i32
    %dma_start3A_355 = tpu.memref_slice %arg5[%dma_start3A_353, %dma_start3A_354] : memref<16x64xi32, #tpu.memory_space<vmem>> -> memref<1x64xi32, #tpu.memory_space<vmem>>
    %dma_start3A_356 = tpu.memref_squeeze %dma_start3A_355 : memref<1x64xi32, #tpu.memory_space<vmem>> -> memref<64xi32, #tpu.memory_space<vmem>>
    %dma_start3A_357 = arith.constant 0 : i32
    %dma_start3A_358 = arith.constant 0 : i32
    %dma_start3A_359 = tpu.memref_slice %arg3[%dma_start3A_357, %dma_start3A_358] : memref<8192x768xf32, #tpu.memory_space<hbm>> -> memref<8192x768xf32, #tpu.memory_space<hbm>>
    tpu.enqueue_indirect_dma source(%dma_start3A_359 : memref<8192x768xf32, #tpu.memory_space<hbm>>) target(%arg6 : memref<64x768xf32, #tpu.memory_space<vmem>>) offsets(%dma_start3A_356 : memref<64xi32, #tpu.memory_space<vmem>>) semaphore(%arg8 : memref<!tpu.dma_semaphore, #tpu.memory_space<semaphore_mem>>)
    %add3A_360 = arith.constant 832 : i32
    %add3A_361 = arith.addi %mul3A_2, %add3A_360 : i32
    %dma_start3A_362 = arith.constant 0 : i32
    %dma_start3A_363 = tpu.memref_slice %arg4[%add3A_361, %dma_start3A_362] : memref<32768x768xf32, #tpu.memory_space<hbm>> -> memref<64x768xf32, #tpu.memory_space<hbm>>
    %dma_start3A_364 = arith.constant 0 : i32
    %dma_start3A_365 = tpu.memref_slice %arg4[%add3A_361, %dma_start3A_364] : memref<32768x768xf32, #tpu.memory_space<hbm>> -> memref<64x768xf32, #tpu.memory_space<hbm>>
    tpu.enqueue_dma source(%arg7 : memref<64x768xf32, #tpu.memory_space<vmem>>) target(%dma_start3A_365 : memref<64x768xf32, #tpu.memory_space<hbm>>) target_semaphore(%arg9 : memref<!tpu.dma_semaphore, #tpu.memory_space<semaphore_mem>>)
    %dma_wait3A_366 = arith.constant 14 : i32
    %dma_wait3A_367 = arith.constant 0 : i32
    %dma_wait3A_368 = tpu.memref_slice %arg5[%dma_wait3A_366, %dma_wait3A_367] : memref<16x64xi32, #tpu.memory_space<vmem>> -> memref<1x64xi32, #tpu.memory_space<vmem>>
    %dma_wait3A_369 = tpu.memref_squeeze %dma_wait3A_368 : memref<1x64xi32, #tpu.memory_space<vmem>> -> memref<64xi32, #tpu.memory_space<vmem>>
    %dma_wait3A_370 = arith.constant 0 : i32
    %dma_wait3A_371 = arith.constant 0 : i32
    %dma_wait3A_372 = tpu.memref_slice %arg3[%dma_wait3A_370, %dma_wait3A_371] : memref<8192x768xf32, #tpu.memory_space<hbm>> -> memref<8192x768xf32, #tpu.memory_space<hbm>>
    tpu.wait_indirect_dma semaphore(%arg8 : memref<!tpu.dma_semaphore, #tpu.memory_space<semaphore_mem>>) src(%dma_wait3A_372 : memref<8192x768xf32, #tpu.memory_space<hbm>>) dst(%arg6 : memref<64x768xf32, #tpu.memory_space<vmem>>)
    %add3A_373 = arith.constant 832 : i32
    %add3A_374 = arith.addi %mul3A_2, %add3A_373 : i32
    %dma_wait3A_375 = arith.constant 0 : i32
    %dma_wait3A_376 = tpu.memref_slice %arg4[%add3A_374, %dma_wait3A_375] : memref<32768x768xf32, #tpu.memory_space<hbm>> -> memref<64x768xf32, #tpu.memory_space<hbm>>
    %dma_wait3A_377 = arith.constant 0 : i32
    %dma_wait3A_378 = tpu.memref_slice %arg4[%add3A_374, %dma_wait3A_377] : memref<32768x768xf32, #tpu.memory_space<hbm>> -> memref<64x768xf32, #tpu.memory_space<hbm>>
    tpu.wait_dma2 semaphore(%arg9 : memref<!tpu.dma_semaphore, #tpu.memory_space<semaphore_mem>>) src(%arg7 : memref<64x768xf32, #tpu.memory_space<vmem>>) dst(%dma_wait3A_378 : memref<64x768xf32, #tpu.memory_space<hbm>>)
    %dma_start3A_379 = arith.constant 15 : i32
    %dma_start3A_380 = arith.constant 0 : i32
    %dma_start3A_381 = tpu.memref_slice %arg5[%dma_start3A_379, %dma_start3A_380] : memref<16x64xi32, #tpu.memory_space<vmem>> -> memref<1x64xi32, #tpu.memory_space<vmem>>
    %dma_start3A_382 = tpu.memref_squeeze %dma_start3A_381 : memref<1x64xi32, #tpu.memory_space<vmem>> -> memref<64xi32, #tpu.memory_space<vmem>>
    %dma_start3A_383 = arith.constant 0 : i32
    %dma_start3A_384 = arith.constant 0 : i32
    %dma_start3A_385 = tpu.memref_slice %arg3[%dma_start3A_383, %dma_start3A_384] : memref<8192x768xf32, #tpu.memory_space<hbm>> -> memref<8192x768xf32, #tpu.memory_space<hbm>>
    tpu.enqueue_indirect_dma source(%dma_start3A_385 : memref<8192x768xf32, #tpu.memory_space<hbm>>) target(%arg7 : memref<64x768xf32, #tpu.memory_space<vmem>>) offsets(%dma_start3A_382 : memref<64xi32, #tpu.memory_space<vmem>>) semaphore(%arg8 : memref<!tpu.dma_semaphore, #tpu.memory_space<semaphore_mem>>)
    %add3A_386 = arith.constant 896 : i32
    %add3A_387 = arith.addi %mul3A_2, %add3A_386 : i32
    %dma_start3A_388 = arith.constant 0 : i32
    %dma_start3A_389 = tpu.memref_slice %arg4[%add3A_387, %dma_start3A_388] : memref<32768x768xf32, #tpu.memory_space<hbm>> -> memref<64x768xf32, #tpu.memory_space<hbm>>
    %dma_start3A_390 = arith.constant 0 : i32
    %dma_start3A_391 = tpu.memref_slice %arg4[%add3A_387, %dma_start3A_390] : memref<32768x768xf32, #tpu.memory_space<hbm>> -> memref<64x768xf32, #tpu.memory_space<hbm>>
    tpu.enqueue_dma source(%arg6 : memref<64x768xf32, #tpu.memory_space<vmem>>) target(%dma_start3A_391 : memref<64x768xf32, #tpu.memory_space<hbm>>) target_semaphore(%arg9 : memref<!tpu.dma_semaphore, #tpu.memory_space<semaphore_mem>>)
    %dma_wait3A_392 = arith.constant 15 : i32
    %dma_wait3A_393 = arith.constant 0 : i32
    %dma_wait3A_394 = tpu.memref_slice %arg5[%dma_wait3A_392, %dma_wait3A_393] : memref<16x64xi32, #tpu.memory_space<vmem>> -> memref<1x64xi32, #tpu.memory_space<vmem>>
    %dma_wait3A_395 = tpu.memref_squeeze %dma_wait3A_394 : memref<1x64xi32, #tpu.memory_space<vmem>> -> memref<64xi32, #tpu.memory_space<vmem>>
    %dma_wait3A_396 = arith.constant 0 : i32
    %dma_wait3A_397 = arith.constant 0 : i32
    %dma_wait3A_398 = tpu.memref_slice %arg3[%dma_wait3A_396, %dma_wait3A_397] : memref<8192x768xf32, #tpu.memory_space<hbm>> -> memref<8192x768xf32, #tpu.memory_space<hbm>>
    tpu.wait_indirect_dma semaphore(%arg8 : memref<!tpu.dma_semaphore, #tpu.memory_space<semaphore_mem>>) src(%dma_wait3A_398 : memref<8192x768xf32, #tpu.memory_space<hbm>>) dst(%arg7 : memref<64x768xf32, #tpu.memory_space<vmem>>)
    %add3A_399 = arith.constant 896 : i32
    %add3A_400 = arith.addi %mul3A_2, %add3A_399 : i32
    %dma_wait3A_401 = arith.constant 0 : i32
    %dma_wait3A_402 = tpu.memref_slice %arg4[%add3A_400, %dma_wait3A_401] : memref<32768x768xf32, #tpu.memory_space<hbm>> -> memref<64x768xf32, #tpu.memory_space<hbm>>
    %dma_wait3A_403 = arith.constant 0 : i32
    %dma_wait3A_404 = tpu.memref_slice %arg4[%add3A_400, %dma_wait3A_403] : memref<32768x768xf32, #tpu.memory_space<hbm>> -> memref<64x768xf32, #tpu.memory_space<hbm>>
    tpu.wait_dma2 semaphore(%arg9 : memref<!tpu.dma_semaphore, #tpu.memory_space<semaphore_mem>>) src(%arg6 : memref<64x768xf32, #tpu.memory_space<vmem>>) dst(%dma_wait3A_404 : memref<64x768xf32, #tpu.memory_space<hbm>>)
    %add3A_405 = arith.constant 960 : i32
    %add3A_406 = arith.addi %mul3A_2, %add3A_405 : i32
    %dma_start3A_407 = arith.constant 0 : i32
    %dma_start3A_408 = tpu.memref_slice %arg4[%add3A_406, %dma_start3A_407] : memref<32768x768xf32, #tpu.memory_space<hbm>> -> memref<64x768xf32, #tpu.memory_space<hbm>>
    %dma_start3A_409 = arith.constant 0 : i32
    %dma_start3A_410 = tpu.memref_slice %arg4[%add3A_406, %dma_start3A_409] : memref<32768x768xf32, #tpu.memory_space<hbm>> -> memref<64x768xf32, #tpu.memory_space<hbm>>
    tpu.enqueue_dma source(%arg7 : memref<64x768xf32, #tpu.memory_space<vmem>>) target(%dma_start3A_410 : memref<64x768xf32, #tpu.memory_space<hbm>>) target_semaphore(%arg9 : memref<!tpu.dma_semaphore, #tpu.memory_space<semaphore_mem>>)
    %add3A_411 = arith.constant 960 : i32
    %add3A_412 = arith.addi %mul3A_2, %add3A_411 : i32
    %dma_wait3A_413 = arith.constant 0 : i32
    %dma_wait3A_414 = tpu.memref_slice %arg4[%add3A_412, %dma_wait3A_413] : memref<32768x768xf32, #tpu.memory_space<hbm>> -> memref<64x768xf32, #tpu.memory_space<hbm>>
    %dma_wait3A_415 = arith.constant 0 : i32
    %dma_wait3A_416 = tpu.memref_slice %arg4[%add3A_412, %dma_wait3A_415] : memref<32768x768xf32, #tpu.memory_space<hbm>> -> memref<64x768xf32, #tpu.memory_space<hbm>>
    tpu.wait_dma2 semaphore(%arg9 : memref<!tpu.dma_semaphore, #tpu.memory_space<semaphore_mem>>) src(%arg7 : memref<64x768xf32, #tpu.memory_space<vmem>>) dst(%dma_wait3A_416 : memref<64x768xf32, #tpu.memory_space<hbm>>)
    return
  }
}

</mosaic_0001>

<sc_bundles>
// kernel: kernel.3.cloned.1.call-start
scs
__scs_entry_jumppad:
0x0: {  	(pc) =	sbr.rel $0x88, $3  }
0x1: {  	(tag) =	ssettag $0x0;
	lr =	simm.s32 $0x1  }
0x2: {  	[smem:$0x3F9F] =	sst lr;
	_ =	strace $0xD0000000  }
0x3: {  	_ = 	snop  }
0x4: {  	_ = 	snop  }
0x5: {  	_ = 	snop  }
0x6: {  	_ = 	snop  }
0x7: {  	_ = 	snop  }
__scs_overlays_trampoline_lowered:
0x8: {  	[smem:$0x3FAE] =	sst s0  }
0x9: {  	[smem:$0x3FAF] =	sst s1  }
0xa: {  	[smem:$0x3FB0] =	sst s2  }
0xb: {  	[smem:$0x3FB1] =	sst s3  }
0xc: {  	[smem:$0x3FB2] =	sst s4  }
0xd: {  	[smem:$0x3FB3] =	sst s5  }
0xe: {  	[smem:$0x3FB4] =	sst s6  }
0xf: {  	[smem:$0x3FB5] =	sst s7  }
0x10: {  	[smem:$0x3FB6] =	sst s8  }
0x11: {  	[smem:$0x3FB7] =	sst s9;
	s0 =	simm.s32 @!p0 $0x0  }
0x12: {  	s1 =	sld [smem:$0x3F9D];
	s0 =	simm.s32 @p0 $0x1  }
0x13: {  	[smem:$0x3FB8] =	sst s0;
	s0 =	simm.s32 @!p1 $0x0  }
0x14: {  	s2 =	sld [smem:$0x3F9C];
	s0 =	simm.s32 @p1 $0x1  }
0x15: {  	[smem:$0x3FB9] =	sst s0;
	s0 =	simm.s32 @!p2 $0x0  }
0x16: {  	s3 =	sld [smem:$0x3FDB];
	s0 =	simm.s32 @p2 $0x1  }
0x17: {  	s4 =	simm.s32 $0x1BF5;
	[smem:$0x3FBB] =	sst s0  }
0x18: {  	s0 =	sld [smem:$0x3F9E];
	_ =	swait.ge [sflag:s4], $0x0  }
0x19: {  	s7 =	sld [smem:$0x3F9F]  }
0x1a: {  	s8 =	sadd.s32 $0xFFFFE003, lr  }
0x1b: {  	s9 =	sadd.s32 $0xFFFFFEF7, lr;
	s5 =	simm.s32 $0xFFFFFFFF;
	p2 =	slt.u32 s8, $0xFFFFF086  }
0x1c: {  	p1 =	slt.u32 s9, $0xF7A;
	s5 =	simm.s32 @!p2 $0x0  }
0x1d: {  	s5 =	simm.s32 @p1 $0x1;
	p0 =	seq.s32 s7, s2  }
0x1e: {  	s7 =	smul.u32 @!p0 $0xF7A, s2;
	p2 =	seq.s32 @!p0 s5, $0x0  }
0x1f: {  	s9 =	smul.u32 $0xF7A, s1;
	s8 =	simm.s32 @!p0 $0x1BF5;
	p2 =	por !p2, p0  }
0x20: {  	[sflag:s8] =	ssyncset.s32 @!p0 $0xFFFFF086;
	s6 =	sadd.s32 @!p0 s3, s7;
	s7 =	simm.s32 @!p0 $0x108  }
0x21: {  	s3 =	sadd.s32 s3, s9;
	s6 =	sadd.s32 @!p0 $0x88, s6;
	s7 =	simm.s32 @p2 $0x1082  }
0x22: {  	[simem:s7], [sflag:s8] =	dma.local @!p0 [hbm:s6], $0xF7A  }
0x23: {  	s9 =	sor.u32 $0xD0000000, s2;
	s6 =	simm.s32 $0x108;
	_ =	swait.ge @!p0 [sflag:s8], $0x0  }
0x24: {  	s3 =	sadd.s32 $0x88, s3;
	s6 =	simm.s32 @!p1 $0x1082;
	[sflag:s4] =	ssyncset.s32 $0xFFFFF086  }
0x25: {  	[simem:s6], [sflag:s4] =	dma.local [hbm:s3], $0xF7A  }
0x26: {  	[smem:$0x3F9F] =	sst s1;
	(tag) =	ssettag s2;
	_ =	strace s9  }
0x27: {  	s1 =	sld [smem:$0x3FAF]  }
0x28: {  	s2 =	sld [smem:$0x3FB0]  }
0x29: {  	s4 =	sld [smem:$0x3FB2]  }
0x2a: {  	p0 =	seq.s32 s5, $0x0;
	s5 =	sld [smem:$0x3FB3]  }
0x2b: {  	s6 =	sld [smem:$0x3FB4]  }
0x2c: {  	s7 =	sld [smem:$0x3FB5]  }
0x2d: {  	s3 =	simm.s32 $0x108;
	s8 =	sld [smem:$0x3FB6]  }
0x2e: {  	s3 =	simm.s32 @!p0 $0x1082;
	s9 =	sld [smem:$0x3FB7]  }
0x2f: {  	lr =	sadd.s32 s0, s3;
	s0 =	sld [smem:$0x3FAE]  }
0x30: {  	s3 =	sld [smem:$0x3FB1]  }
0x31: {  	[smem:$0x3FBA] =	sst s10  }
0x32: {  	s10 =	sld [smem:$0x3FB8];
	_ =	sdelay $0x3  }
0x33: {  	p0 =	seq.s32 s10, $0x1;
	s10 =	sld [smem:$0x3FBA];
	_ =	sdelay $0x3  }
0x34: {  	[smem:$0x3FBA] =	sst s10  }
0x35: {  	s10 =	sld [smem:$0x3FB9];
	_ =	sdelay $0x3  }
0x36: {  	p1 =	seq.s32 s10, $0x1;
	s10 =	sld [smem:$0x3FBA];
	_ =	sdelay $0x3  }
0x37: {  	[smem:$0x3FBA] =	sst s10  }
0x38: {  	s10 =	sld [smem:$0x3FBB]  }
0x39: {  	_ = 	snop;
	(pc) =	sbr.ind lr, $3  }
0x3a: {  	_ = 	snop  }
0x3b: {  	_ = 	snop  }
0x3c: {  	p2 =	seq.s32 s10, $0x1;
	s10 =	sld [smem:$0x3FBA]  }
0x3d: {  	_ =	shalt  }
0x3e: {  	_ =	shalt  }
0x3f: {  	_ =	shalt  }
0x40: {  	_ =	shalt  }
0x41: {  	_ =	shalt  }
0x42: {  	_ =	shalt  }
0x43: {  	_ =	shalt  }
0x44: {  	_ =	shalt  }
0x45: {  	_ =	shalt  }
0x46: {  	_ =	shalt  }
0x47: {  	_ =	shalt  }
0x48: {  	_ =	shalt  }
0x49: {  	_ =	shalt  }
0x4a: {  	_ =	shalt  }
0x4b: {  	_ =	shalt  }
0x4c: {  	_ =	shalt  }
0x4d: {  	_ =	shalt  }
0x4e: {  	_ =	shalt  }
0x4f: {  	_ =	shalt  }
0x50: {  	_ =	shalt  }
0x51: {  	_ =	shalt  }
0x52: {  	_ =	shalt  }
0x53: {  	_ =	shalt  }
0x54: {  	_ =	shalt  }
0x55: {  	_ =	shalt  }
0x56: {  	_ =	shalt  }
0x57: {  	_ =	shalt  }
0x58: {  	_ =	shalt  }
0x59: {  	_ =	shalt  }
0x5a: {  	_ =	shalt  }
0x5b: {  	_ =	shalt  }
0x5c: {  	_ =	shalt  }
0x5d: {  	_ =	shalt  }
0x5e: {  	_ =	shalt  }
0x5f: {  	_ =	shalt  }
0x60: {  	_ =	shalt  }
0x61: {  	_ =	shalt  }
0x62: {  	_ =	shalt  }
0x63: {  	_ =	shalt  }
0x64: {  	_ =	shalt  }
0x65: {  	_ =	shalt  }
0x66: {  	_ =	shalt  }
0x67: {  	_ =	shalt  }
0x68: {  	_ =	shalt  }
0x69: {  	_ =	shalt  }
0x6a: {  	_ =	shalt  }
0x6b: {  	_ =	shalt  }
0x6c: {  	_ =	shalt  }
0x6d: {  	_ =	shalt  }
0x6e: {  	_ =	shalt  }
0x6f: {  	_ =	shalt  }
0x70: {  	_ =	shalt  }
0x71: {  	_ =	shalt  }
0x72: {  	_ =	shalt  }
0x73: {  	_ =	shalt  }
0x74: {  	_ =	shalt  }
0x75: {  	_ =	shalt  }
0x76: {  	_ =	shalt  }
0x77: {  	_ =	shalt  }
0x78: {  	_ =	shalt  }
0x79: {  	_ =	shalt  }
0x7a: {  	_ =	shalt  }
0x7b: {  	_ =	shalt  }
0x7c: {  	_ =	shalt  }
0x7d: {  	_ =	shalt  }
0x7e: {  	_ =	shalt  }
0x7f: {  	_ =	shalt  }
0x80: {  	_ =	shalt  }
0x81: {  	_ =	shalt  }
0x82: {  	_ =	shalt  }
0x83: {  	_ =	shalt  }
0x84: {  	_ =	shalt  }
0x85: {  	_ =	shalt  }
0x86: {  	_ =	shalt  }
0x87: {  	_ =	shalt  }
.Lfunc_end0:
.L_simem_size_0:
called_computation_lowered:
.L_overlay_start_0:
0x88: {  	s2 =	sld [smem:$0x3FD9]  }
0x89: {  	s3 =	sld [smem:$0x3FFE];
	_ =	sdelay $0x1  }
0x8a: {  	s1 =	srdreg.scid  }
0x8b: {  	s0 =	sand.u32 $0x1, s1  }
0x8c: {  	s17 =	sshll.u32 s0, $0xA;
	s2 =	sadd.s32 s3, s2  }
0x8d: {  	s2 =	sadd.s32 s2, s17  }
0x8e: {  	[smem:$0x3FC6] =	sst s2  }
0x8f: {  	_ = 	snop  }
0x90: {  	s2 =	sld [smem:$0x3FC8]  }
0x91: {  	s18 =	sld [smem:$0x3FD0];
	(tm) =	ssettm $0x1  }
0x92: {  	s4 =	sld [smem:$0x3FFB];
	_ =	sdelay $0x3  }
0x93: {  	_ =	strace s4  }
0x94: {  	s4 =	sld [smem:$0x3FFC];
	_ =	sdelay $0x3  }
0x95: {  	_ =	strace s4  }
0x96: {  	s4 =	sld [smem:$0x3FFD];
	_ =	sdelay $0x3  }
0x97: {  	_ =	strace s4  }
0x98: {  	_ =	strace $0x8FFFFFFF  }
0x99: {  	s19 =	sld [smem:$0x3FDB];
	_ =	sdelay $0x1  }
0x9a: {  	s5 =	simm.s32 $_scs_section_size  }
0x9b: {  	s6 =	simm.s32 $_size__tile_overlayer_lowered;
	s7 =	simm.s32 $_tile_overlayer_lowered  }
0x9c: {  	s22 =	simm.s32 $0x1BFF;
	s21 =	sshll.u32 s7, $0x1;
	s4 =	sadd.s32 s5, s19  }
0x9d: {  	s8 =	simm.s32 $0x0;
	s20 =	sshll.u32 s6, $0x1;
	s6 =	sadd.s32 s21, s4  }
0x9e: {  	[timem:s8], [sflag:s22] =	dma.local [hbm:s6], s20  }
0x9f: {  	_ =	swait.ge [sflag:s22], s20  }
0xa0: {  	s5 =	ssub.s32 $0x0, s20;
	[sflag:s22] =	ssyncset.done $0x0  }
0xa1: {  	[sflag:s22] =	ssyncadd.s32 s5;
	_ =	sdelay $0x1  }
0xa2: {  	s23 =	simm.s32 $0x1B8B  }
0xa3: {  	_ =	swait.ge [sflag:s23], $0x1  }
0xa4: {  	[sflag:s23] =	ssyncset.done $0x0  }
0xa5: {  	s25 =	simm.s32 $0x1B8E;
	s24 =	sld [smem:$0x3FFE];
	[sflag:s23] =	ssyncadd.s32 $0xFFFFFFFF  }
0xa6: {  	s26 =	simm.s32 $execute0_lowered;
	[smem:$0x3FD2] =	sst s25  }
0xa7: {  	s6 =	sshll.u32 s26, $0x1;
	_ =	strace $0x80000046;
	[dreg:$0x1] =	wrdreg $0xFFFFFFFF  }
0xa8: {  	s28 =	simm.s32 $_size_execute0_lowered;
	s4 =	sadd.s32 s4, s6;
	[dreg:$0x0] =	wrdreg $0x0  }
0xa9: {  	s6 =	sshll.u32 s28, $0x1;
	[dreg:$0x2] =	wrdreg s4  }
0xaa: {  	[dreg:$0x3] =	wrdreg s6  }
0xab: {  	[dreg:$0x4] =	wrdreg $0xC0  }
0xac: {  	_ =	task [dreg:s8], $0x5FFFF  }
0xad: {  	[dreg:$0x1] =	wrdreg $0xFFFFFFFF  }
0xae: {  	[dreg:$0x0] =	wrdreg $0x60  }
0xaf: {  	[dreg:$0x2] =	wrdreg s24  }
0xb0: {  	[dreg:$0x3] =	wrdreg s2  }
0xb1: {  	[dreg:$0x4] =	wrdreg s18  }
0xb2: {  	[dreg:$0x5] =	wrdreg $0x9  }
0xb3: {  	_ =	task.clear_ibuf [dreg:s8], $0x6FFFF;
	_ =	strace $0x90000046  }
0xb4: {  	s29 =	simm.s32 $0x9;
	_ =	strace $0x80000048  }
0xb5: {  	_ =	swait.ge [sflag:s29], $0x1  }
0xb6: {  	[sflag:s29] =	ssyncadd.s32 $0xFFFFFFFF  }
0xb7: {  	_ =	strace $0x90000048  }
0xb8: {  	_ =	sfence  }
0xb9: {  	s30 =	sld [smem:$0x0];
	_ =	sdelay $0x2  }
0xba: {  	s31 =	sshll.u32 s1, $0xD;
	s1 =	sshrl.u32 s1, $0x2  }
0xbb: {  	s3 =	sand.u32 $0x4000, s31;
	s1 =	sadd.s32 s1, s30  }
0xbc: {  	s0 =	sor.u32 s3, s0;
	s1 =	sshll.u32 s1, $0x11  }
0xbd: {  	s0 =	sor.u32 s1, s0  }
0xbe: {  	s0 =	sadd.s32 $0x8F2B, s0  }
0xbf: {  	[sflag:s0] =	ssyncadd.remote.s32 $0x1  }
0xc0: {  	_ =	sfence.sel $0xFFFF  }
0xc1: {  	[dreg:$0x0] =	wrdreg $0xFFFFFFFF;
	(pc) =	sbr.abs _section_cstart, $3  }
0xc2: {  	[dreg:$0x1] =	wrdreg $0xFFFFFFFF  }
0xc3: {  	_ =	task.clear_ibuf [dreg:s8], $0x2FFFF;
	_ =	strace $0x9FFFFFFF  }
0xc4: {  	(tm) =	ssettm $0x7FFFFFFF  }
0xc5: {  	_ =	shalt  }
tec
execute0_lowered:
.L_overlay_start_1:
0x0: {  	(tag) =	ssettag $0x1  }
0x1: {  	s1 =	srdreg.scid;
	s3 =	stileid.u32  }
0x2: {  	s0 =	rddreg [dreg:$0x0];
	s1 =	sand.u32 $0x1, s1;
	s3 =	sshll.u32 s3, $0x1  }
0x3: {  	s2 =	rddreg [dreg:$0x1];
	s5 =	sor.u32 s1, s3  }
0x4: {  	s4 =	rddreg [dreg:$0x2];
	s6 =	sshll.u32 s5, $0x8  }
0x5: {  	s3 =	simm.s32 $0x0;
	s7 =	smul.u32 $0x18000, s5;
	s0 =	sadd.s32 s6, s0  }
0x6: {  	[smem:$0x7FF] =	sst s3;
	s0 =	sadd.s32 $0x400, s0  }
0x7: {  	_ =	strace $0x80000047;
	s14 =	sadd.s32 s4, s7;
	[dreg:$0x4] =	wrdreg s0  }
0x8: {  	s15 =	sadd.s32 $0x1800, s14;
	[dreg:$0x14] =	wrdreg s14  }
0x9: {  	s5 =	smul.u32 $0xC0000, s5;
	s16 =	sadd.s32 $0x3000, s14;
	[dreg:$0x5] =	wrdreg s15  }
0xa: {  	s17 =	sadd.s32 $0x4800, s14;
	[dreg:$0x6] =	wrdreg s16  }
0xb: {  	s5 =	sshrl.u32 s5, $0x3;
	s18 =	sadd.s32 $0x6000, s14;
	[dreg:$0x7] =	wrdreg s17  }
0xc: {  	s19 =	sadd.s32 $0x7800, s14;
	s4 =	sadd.s32 s4, s5;
	[dreg:$0x8] =	wrdreg s18  }
0xd: {  	[dreg:$0x9] =	wrdreg s19;
	s20 =	sadd.s32 $0x9000, s4  }
0xe: {  	s21 =	sadd.s32 $0xA800, s4;
	[dreg:$0xa] =	wrdreg s20  }
0xf: {  	s22 =	sadd.s32 $0xC000, s4;
	[dreg:$0xb] =	wrdreg s21  }
0x10: {  	s23 =	sadd.s32 $0xD800, s4;
	[dreg:$0xc] =	wrdreg s22  }
0x11: {  	s10 =	simm.s32 $0x2;
	s24 =	sadd.s32 $0xF000, s4;
	[dreg:$0xd] =	wrdreg s23  }
0x12: {  	s1 =	ssub.s32 $0x2, s1;
	s25 =	sadd.s32 $0x10800, s4;
	[dreg:$0xe] =	wrdreg s24  }
0x13: {  	s28 =	sshrl.u32 s1, $0x1;
	s26 =	sadd.s32 $0x12000, s4;
	[dreg:$0xf] =	wrdreg s25  }
0x14: {  	s1 =	ssub.s32 s1, s28;
	s29 =	sadd.s32 $0x13800, s4;
	[dreg:$0x10] =	wrdreg s26  }
0x15: {  	v2 =	vlaneseq.u32;
	s6 =	sadd.s32 $0x200, s2;
	s30 =	sadd.s32 $0x15000, s4;
	[dreg:$0x11] =	wrdreg s29  }
0x16: {  	vm0 =	vmmov $0xffff;
	v1 =	vshrl.u32 v2, $0x3;
	s5 =	sadd.s32 $0x100, s2;
	s31 =	sadd.s32 $0x16800, s4;
	[dreg:$0x12] =	wrdreg s30  }
0x17: {  	v0 =	vand.u32 $0x7, v2;
	v2 =	vor.u32 $0x8, v2;
	v1 =	vmul.u32 $0x8, v1;
	s0 =	smax.u32 s1, $0x1;
	s4 =	simm.s32 $0x1;
	[dreg:$0x13] =	wrdreg s31  }
.LBB2_1:
0x18: {  	[dreg:$0x15] =	wrdreg s0  }
0x19: {  	s11 =	rddreg [dreg:$0x4];
	s25 =	simm.s32 $0x3  }
0x1a: {  	[tilespmem:s3], [sflag:$0x3] =	stream.linear.gather [hbm4b:s11+s3], $0x800, $0x38;
	[tilespmem:$0x18800] =	vst v63  }
0x1b: {  	_ =	swait.ge [sflag:s25], $0x800  }
0x1c: {  	[sflag:s25] =	ssyncset.done $0x0  }
0x1d: {  	[sflag:s25] =	ssyncadd.s32 $0xFFFFF800  }
0x1e: {  	v3 =	vld [tilespmem:$0x0];
	_ =	sdelay $0x4  }
0x1f: {  	v4 =	vshrl.u32 v3, $0x3  }
0x20: {  	v4 =	vmul.u32 $0x30, v4  }
0x21: {  	v3 =	vand.u32 $0x7, v3  }
0x22: {  	v3 =	vor.u32 v3, v4  }
0x23: {  	v4 =	vperm.xlane v3, v0;
	_ =	sdelay $0x1  }
0x24: {  	v4 =	vadd.s32 v1, v4;
	_ =	sdelay $0x3  }
0x25: {  	s26 =	simm.s32 $0x800;
	v3 =	vperm.xlane v3, v2  }
0x26: {  	[tilespmem:s26], [sflag:$0x1] =	stream.indirect_vreg.gather [hbm4b:s2+s3], $0x80, v4, vm0, $0xb8;
	[tilespmem:$0x18800] =	vst v63  }
0x27: {  	s28 =	simm.s32 $0x1000;
	v3 =	vadd.s32 v1, v3  }
0x28: {  	[tilespmem:s28], [sflag:$0x1] =	stream.indirect_vreg.gather [hbm4b:s5+s3], $0x80, v4, vm0, $0xb8;
	[tilespmem:$0x18800] =	vst v63  }
0x29: {  	s29 =	simm.s32 $0x1800  }
0x2a: {  	[tilespmem:s29], [sflag:$0x1] =	stream.indirect_vreg.gather [hbm4b:s6+s3], $0x80, v4, vm0, $0xb8;
	[tilespmem:$0x18800] =	vst v63  }
0x2b: {  	s30 =	simm.s32 $0x2000  }
0x2c: {  	[tilespmem:s30], [sflag:$0x1] =	stream.indirect_vreg.gather [hbm4b:s2+s3], $0x80, v3, vm0, $0xb8;
	[tilespmem:$0x18800] =	vst v63  }
0x2d: {  	s31 =	simm.s32 $0x2800  }
0x2e: {  	[tilespmem:s31], [sflag:$0x1] =	stream.indirect_vreg.gather [hbm4b:s5+s3], $0x80, v3, vm0, $0xb8;
	[tilespmem:$0x18800] =	vst v63  }
0x2f: {  	s1 =	simm.s32 $0x3000  }
0x30: {  	[tilespmem:s1], [sflag:$0x1] =	stream.indirect_vreg.gather [hbm4b:s6+s3], $0x80, v3, vm0, $0xb8;
	[tilespmem:$0x18800] =	vst v63  }
0x31: {  	v3 =	vld [tilespmem:$0x10];
	_ =	sdelay $0x4  }
0x32: {  	v57 =	vshrl.u32 v3, $0x3  }
0x33: {  	v4 =	vmul.u32 $0x30, v57  }
0x34: {  	v3 =	vand.u32 $0x7, v3  }
0x35: {  	v3 =	vor.u32 v3, v4  }
0x36: {  	v4 =	vperm.xlane v3, v0;
	_ =	sdelay $0x1  }
0x37: {  	v4 =	vadd.s32 v1, v4;
	_ =	sdelay $0x3  }
0x38: {  	s8 =	simm.s32 $0x3800;
	v3 =	vperm.xlane v3, v2  }
0x39: {  	[tilespmem:s8], [sflag:$0x1] =	stream.indirect_vreg.gather [hbm4b:s2+s3], $0x80, v4, vm0, $0xb8;
	[tilespmem:$0x18800] =	vst v63  }
0x3a: {  	s9 =	simm.s32 $0x4000;
	v3 =	vadd.s32 v1, v3  }
0x3b: {  	[tilespmem:s9], [sflag:$0x1] =	stream.indirect_vreg.gather [hbm4b:s5+s3], $0x80, v4, vm0, $0xb8;
	[tilespmem:$0x18800] =	vst v63  }
0x3c: {  	s11 =	simm.s32 $0x4800  }
0x3d: {  	[tilespmem:s11], [sflag:$0x1] =	stream.indirect_vreg.gather [hbm4b:s6+s3], $0x80, v4, vm0, $0xb8;
	[tilespmem:$0x18800] =	vst v63  }
0x3e: {  	s14 =	simm.s32 $0x5000  }
0x3f: {  	[tilespmem:s14], [sflag:$0x1] =	stream.indirect_vreg.gather [hbm4b:s2+s3], $0x80, v3, vm0, $0xb8;
	[tilespmem:$0x18800] =	vst v63  }
0x40: {  	s15 =	simm.s32 $0x5800  }
0x41: {  	[tilespmem:s15], [sflag:$0x1] =	stream.indirect_vreg.gather [hbm4b:s5+s3], $0x80, v3, vm0, $0xb8;
	[tilespmem:$0x18800] =	vst v63  }
0x42: {  	s18 =	simm.s32 $0x6000  }
0x43: {  	[tilespmem:s18], [sflag:$0x1] =	stream.indirect_vreg.gather [hbm4b:s6+s3], $0x80, v3, vm0, $0xb8;
	[tilespmem:$0x18800] =	vst v63  }
0x44: {  	v3 =	vld [tilespmem:$0x20];
	_ =	sdelay $0x4  }
0x45: {  	v58 =	vshrl.u32 v3, $0x3  }
0x46: {  	v4 =	vmul.u32 $0x30, v58  }
0x47: {  	v3 =	vand.u32 $0x7, v3  }
0x48: {  	v3 =	vor.u32 v3, v4  }
0x49: {  	v4 =	vperm.xlane v3, v0;
	_ =	sdelay $0x1  }
0x4a: {  	v4 =	vadd.s32 v1, v4;
	_ =	sdelay $0x3  }
0x4b: {  	s19 =	simm.s32 $0x6800;
	v3 =	vperm.xlane v3, v2  }
0x4c: {  	[tilespmem:s19], [sflag:$0x1] =	stream.indirect_vreg.gather [hbm4b:s2+s3], $0x80, v4, vm0, $0xb8;
	[tilespmem:$0x18800] =	vst v63  }
0x4d: {  	s22 =	simm.s32 $0x7000;
	v3 =	vadd.s32 v1, v3  }
0x4e: {  	[tilespmem:s22], [sflag:$0x1] =	stream.indirect_vreg.gather [hbm4b:s5+s3], $0x80, v4, vm0, $0xb8;
	[tilespmem:$0x18800] =	vst v63  }
0x4f: {  	s23 =	simm.s32 $0x7800  }
0x50: {  	[tilespmem:s23], [sflag:$0x1] =	stream.indirect_vreg.gather [hbm4b:s6+s3], $0x80, v4, vm0, $0xb8;
	[tilespmem:$0x18800] =	vst v63  }
0x51: {  	s25 =	simm.s32 $0x8000  }
0x52: {  	[tilespmem:s25], [sflag:$0x1] =	stream.indirect_vreg.gather [hbm4b:s2+s3], $0x80, v3, vm0, $0xb8;
	[tilespmem:$0x18800] =	vst v63  }
0x53: {  	s30 =	simm.s32 $0x8800  }
0x54: {  	[tilespmem:s30], [sflag:$0x1] =	stream.indirect_vreg.gather [hbm4b:s5+s3], $0x80, v3, vm0, $0xb8;
	[tilespmem:$0x18800] =	vst v63  }
0x55: {  	s31 =	simm.s32 $0x9000  }
0x56: {  	[tilespmem:s31], [sflag:$0x1] =	stream.indirect_vreg.gather [hbm4b:s6+s3], $0x80, v3, vm0, $0xb8;
	[tilespmem:$0x18800] =	vst v63  }
0x57: {  	v3 =	vld [tilespmem:$0x30];
	_ =	sdelay $0x4  }
0x58: {  	v59 =	vshrl.u32 v3, $0x3  }
0x59: {  	v4 =	vmul.u32 $0x30, v59  }
0x5a: {  	v3 =	vand.u32 $0x7, v3  }
0x5b: {  	v3 =	vor.u32 v3, v4  }
0x5c: {  	v4 =	vperm.xlane v3, v0;
	_ =	sdelay $0x1  }
0x5d: {  	v4 =	vadd.s32 v1, v4;
	_ =	sdelay $0x3  }
0x5e: {  	s1 =	simm.s32 $0x9800;
	v3 =	vperm.xlane v3, v2  }
0x5f: {  	[tilespmem:s1], [sflag:$0x1] =	stream.indirect_vreg.gather [hbm4b:s2+s3], $0x80, v4, vm0, $0xb8;
	[tilespmem:$0x18800] =	vst v63  }
0x60: {  	s8 =	simm.s32 $0xA000;
	v3 =	vadd.s32 v1, v3  }
0x61: {  	[tilespmem:s8], [sflag:$0x1] =	stream.indirect_vreg.gather [hbm4b:s5+s3], $0x80, v4, vm0, $0xb8;
	[tilespmem:$0x18800] =	vst v63  }
0x62: {  	s9 =	simm.s32 $0xA800  }
0x63: {  	[tilespmem:s9], [sflag:$0x1] =	stream.indirect_vreg.gather [hbm4b:s6+s3], $0x80, v4, vm0, $0xb8;
	[tilespmem:$0x18800] =	vst v63  }
0x64: {  	s11 =	simm.s32 $0xB000  }
0x65: {  	[tilespmem:s11], [sflag:$0x1] =	stream.indirect_vreg.gather [hbm4b:s2+s3], $0x80, v3, vm0, $0xb8;
	[tilespmem:$0x18800] =	vst v63  }
0x66: {  	s14 =	simm.s32 $0xB800  }
0x67: {  	[tilespmem:s14], [sflag:$0x1] =	stream.indirect_vreg.gather [hbm4b:s5+s3], $0x80, v3, vm0, $0xb8;
	[tilespmem:$0x18800] =	vst v63  }
0x68: {  	s15 =	simm.s32 $0xC000  }
0x69: {  	[tilespmem:s15], [sflag:$0x1] =	stream.indirect_vreg.gather [hbm4b:s6+s3], $0x80, v3, vm0, $0xb8;
	[tilespmem:$0x18800] =	vst v63  }
0x6a: {  	_ =	swait.ge [sflag:s4], $0xC000  }
0x6b: {  	[sflag:s4] =	ssyncset.done $0x0  }
0x6c: {  	[sflag:s4] =	ssyncadd.s32 $0xFFFF4000  }
0x6d: {  	v3 =	vld [tilespmem:$0x80];
	_ =	sdelay $0x4  }
0x6e: {  	v60 =	vshrl.u32 v3, $0x3  }
0x6f: {  	v4 =	vmul.u32 $0x30, v60  }
0x70: {  	v3 =	vand.u32 $0x7, v3  }
0x71: {  	v3 =	vor.u32 v3, v4  }
0x72: {  	v4 =	vperm.xlane v3, v0;
	_ =	sdelay $0x1  }
0x73: {  	v4 =	vadd.s32 v1, v4;
	_ =	sdelay $0x3  }
0x74: {  	s18 =	simm.s32 $0xC800;
	v3 =	vperm.xlane v3, v2  }
0x75: {  	[tilespmem:s18], [sflag:$0x1] =	stream.indirect_vreg.gather [hbm4b:s2+s3], $0x80, v4, vm0, $0xb8;
	[tilespmem:$0x18800] =	vst v63  }
0x76: {  	s19 =	simm.s32 $0xD000;
	v3 =	vadd.s32 v1, v3  }
0x77: {  	[tilespmem:s19], [sflag:$0x1] =	stream.indirect_vreg.gather [hbm4b:s5+s3], $0x80, v4, vm0, $0xb8;
	[tilespmem:$0x18800] =	vst v63  }
0x78: {  	s22 =	simm.s32 $0xD800  }
0x79: {  	[tilespmem:s22], [sflag:$0x1] =	stream.indirect_vreg.gather [hbm4b:s6+s3], $0x80, v4, vm0, $0xb8;
	[tilespmem:$0x18800] =	vst v63  }
0x7a: {  	s23 =	simm.s32 $0xE000  }
0x7b: {  	[tilespmem:s23], [sflag:$0x1] =	stream.indirect_vreg.gather [hbm4b:s2+s3], $0x80, v3, vm0, $0xb8;
	[tilespmem:$0x18800] =	vst v63  }
0x7c: {  	s25 =	simm.s32 $0xE800  }
0x7d: {  	[tilespmem:s25], [sflag:$0x1] =	stream.indirect_vreg.gather [hbm4b:s5+s3], $0x80, v3, vm0, $0xb8;
	[tilespmem:$0x18800] =	vst v63  }
0x7e: {  	s8 =	simm.s32 $0xF000  }
0x7f: {  	[tilespmem:s8], [sflag:$0x1] =	stream.indirect_vreg.gather [hbm4b:s6+s3], $0x80, v3, vm0, $0xb8;
	[tilespmem:$0x18800] =	vst v63  }
0x80: {  	v3 =	vld [tilespmem:$0x90];
	_ =	sdelay $0x4  }
0x81: {  	v61 =	vshrl.u32 v3, $0x3  }
0x82: {  	v4 =	vmul.u32 $0x30, v61  }
0x83: {  	v3 =	vand.u32 $0x7, v3  }
0x84: {  	v3 =	vor.u32 v3, v4  }
0x85: {  	v4 =	vperm.xlane v3, v0;
	_ =	sdelay $0x1  }
0x86: {  	v4 =	vadd.s32 v1, v4;
	_ =	sdelay $0x3  }
0x87: {  	s9 =	simm.s32 $0xF800;
	v3 =	vperm.xlane v3, v2  }
0x88: {  	[tilespmem:s9], [sflag:$0x1] =	stream.indirect_vreg.gather [hbm4b:s2+s3], $0x80, v4, vm0, $0xb8;
	[tilespmem:$0x18800] =	vst v63  }
0x89: {  	s11 =	simm.s32 $0x10000;
	v3 =	vadd.s32 v1, v3  }
0x8a: {  	[tilespmem:s11], [sflag:$0x1] =	stream.indirect_vreg.gather [hbm4b:s5+s3], $0x80, v4, vm0, $0xb8;
	[tilespmem:$0x18800] =	vst v63  }
0x8b: {  	s18 =	simm.s32 $0x10800  }
0x8c: {  	[tilespmem:s18], [sflag:$0x1] =	stream.indirect_vreg.gather [hbm4b:s6+s3], $0x80, v4, vm0, $0xb8;
	[tilespmem:$0x18800] =	vst v63  }
0x8d: {  	s19 =	simm.s32 $0x11000  }
0x8e: {  	[tilespmem:s19], [sflag:$0x1] =	stream.indirect_vreg.gather [hbm4b:s2+s3], $0x80, v3, vm0, $0xb8;
	[tilespmem:$0x18800] =	vst v63  }
0x8f: {  	s22 =	simm.s32 $0x11800  }
0x90: {  	[tilespmem:s22], [sflag:$0x1] =	stream.indirect_vreg.gather [hbm4b:s5+s3], $0x80, v3, vm0, $0xb8;
	[tilespmem:$0x18800] =	vst v63  }
0x91: {  	s23 =	simm.s32 $0x12000  }
0x92: {  	[tilespmem:s23], [sflag:$0x1] =	stream.indirect_vreg.gather [hbm4b:s6+s3], $0x80, v3, vm0, $0xb8;
	[tilespmem:$0x18800] =	vst v63  }
0x93: {  	v3 =	vld [tilespmem:$0xA0];
	_ =	sdelay $0x4  }
0x94: {  	v62 =	vshrl.u32 v3, $0x3  }
0x95: {  	v4 =	vmul.u32 $0x30, v62  }
0x96: {  	v3 =	vand.u32 $0x7, v3  }
0x97: {  	v3 =	vor.u32 v3, v4  }
0x98: {  	v4 =	vperm.xlane v3, v0;
	_ =	sdelay $0x1  }
0x99: {  	v4 =	vadd.s32 v1, v4;
	_ =	sdelay $0x3  }
0x9a: {  	s25 =	simm.s32 $0x12800;
	v3 =	vperm.xlane v3, v2  }
0x9b: {  	[tilespmem:s25], [sflag:$0x1] =	stream.indirect_vreg.gather [hbm4b:s2+s3], $0x80, v4, vm0, $0xb8;
	[tilespmem:$0x18800] =	vst v63  }
0x9c: {  	s8 =	simm.s32 $0x13000;
	v3 =	vadd.s32 v1, v3  }
0x9d: {  	[tilespmem:s8], [sflag:$0x1] =	stream.indirect_vreg.gather [hbm4b:s5+s3], $0x80, v4, vm0, $0xb8;
	[tilespmem:$0x18800] =	vst v63  }
0x9e: {  	s9 =	simm.s32 $0x13800  }
0x9f: {  	[tilespmem:s9], [sflag:$0x1] =	stream.indirect_vreg.gather [hbm4b:s6+s3], $0x80, v4, vm0, $0xb8;
	[tilespmem:$0x18800] =	vst v63  }
0xa0: {  	s11 =	simm.s32 $0x14000  }
0xa1: {  	[tilespmem:s11], [sflag:$0x1] =	stream.indirect_vreg.gather [hbm4b:s2+s3], $0x80, v3, vm0, $0xb8;
	[tilespmem:$0x18800] =	vst v63  }
0xa2: {  	s22 =	simm.s32 $0x14800  }
0xa3: {  	[tilespmem:s22], [sflag:$0x1] =	stream.indirect_vreg.gather [hbm4b:s5+s3], $0x80, v3, vm0, $0xb8;
	[tilespmem:$0x18800] =	vst v63  }
0xa4: {  	s23 =	simm.s32 $0x15000  }
0xa5: {  	[tilespmem:s23], [sflag:$0x1] =	stream.indirect_vreg.gather [hbm4b:s6+s3], $0x80, v3, vm0, $0xb8;
	[tilespmem:$0x18800] =	vst v63  }
0xa6: {  	v3 =	vld [tilespmem:$0xB0];
	_ =	sdelay $0x4  }
0xa7: {  	v63 =	vshrl.u32 v3, $0x3  }
0xa8: {  	v4 =	vmul.u32 $0x30, v63  }
0xa9: {  	v3 =	vand.u32 $0x7, v3  }
0xaa: {  	v3 =	vor.u32 v3, v4  }
0xab: {  	v4 =	vperm.xlane v3, v0;
	_ =	sdelay $0x1  }
0xac: {  	v4 =	vadd.s32 v1, v4;
	_ =	sdelay $0x3  }
0xad: {  	s25 =	simm.s32 $0x15800;
	v3 =	vperm.xlane v3, v2  }
0xae: {  	[tilespmem:s25], [sflag:$0x1] =	stream.indirect_vreg.gather [hbm4b:s2+s3], $0x80, v4, vm0, $0xb8;
	[tilespmem:$0x18800] =	vst v63  }
0xaf: {  	s8 =	simm.s32 $0x16000;
	v3 =	vadd.s32 v1, v3  }
0xb0: {  	[tilespmem:s8], [sflag:$0x1] =	stream.indirect_vreg.gather [hbm4b:s5+s3], $0x80, v4, vm0, $0xb8;
	[tilespmem:$0x18800] =	vst v63  }
0xb1: {  	s9 =	simm.s32 $0x16800  }
0xb2: {  	[tilespmem:s9], [sflag:$0x1] =	stream.indirect_vreg.gather [hbm4b:s6+s3], $0x80, v4, vm0, $0xb8;
	[tilespmem:$0x18800] =	vst v63  }
0xb3: {  	s11 =	simm.s32 $0x17000  }
0xb4: {  	[tilespmem:s11], [sflag:$0x1] =	stream.indirect_vreg.gather [hbm4b:s2+s3], $0x80, v3, vm0, $0xb8;
	[tilespmem:$0x18800] =	vst v63  }
0xb5: {  	s25 =	simm.s32 $0x17800  }
0xb6: {  	[tilespmem:s25], [sflag:$0x1] =	stream.indirect_vreg.gather [hbm4b:s5+s3], $0x80, v3, vm0, $0xb8;
	[tilespmem:$0x18800] =	vst v63  }
0xb7: {  	s0 =	simm.s32 $0x18000  }
0xb8: {  	[tilespmem:s0], [sflag:$0x1] =	stream.indirect_vreg.gather [hbm4b:s6+s3], $0x80, v3, vm0, $0xb8;
	[tilespmem:$0x18800] =	vst v63  }
0xb9: {  	s8 =	rddreg [dreg:$0x14];
	s9 =	simm.s32 $0x800  }
0xba: {  	[hbm4b:s8+s3] =	stream.linear.scatter [tilespmem:s9], [sflag:$0x2], $0xC000, $0x38;
	[tilespmem:$0x18800] =	vst v63  }
0xbb: {  	_ =	swait.ge [sflag:s4], $0xC000  }
0xbc: {  	[sflag:s4] =	ssyncset.done $0x0  }
0xbd: {  	[sflag:s4] =	ssyncadd.s32 $0xFFFF4000  }
0xbe: {  	_ =	swait.ge [sflag:s10], $0xC000  }
0xbf: {  	[sflag:s10] =	ssyncset.done $0x0  }
0xc0: {  	[sflag:s10] =	ssyncadd.s32 $0xFFFF4000  }
0xc1: {  	v3 =	vld [tilespmem:$0x100];
	_ =	sdelay $0x4  }
0xc2: {  	v8 =	vshrl.u32 v3, $0x3  }
0xc3: {  	v4 =	vmul.u32 $0x30, v8  }
0xc4: {  	v3 =	vand.u32 $0x7, v3  }
0xc5: {  	v3 =	vor.u32 v3, v4  }
0xc6: {  	v4 =	vperm.xlane v3, v0;
	_ =	sdelay $0x1  }
0xc7: {  	v4 =	vadd.s32 v1, v4;
	_ =	sdelay $0x3  }
0xc8: {  	v3 =	vperm.xlane v3, v2  }
0xc9: {  	[tilespmem:s9], [sflag:$0x1] =	stream.indirect_vreg.gather [hbm4b:s2+s3], $0x80, v4, vm0, $0xb8;
	[tilespmem:$0x18800] =	vst v63  }
0xca: {  	s7 =	simm.s32 $0x1000;
	v3 =	vadd.s32 v1, v3  }
0xcb: {  	[tilespmem:s7], [sflag:$0x1] =	stream.indirect_vreg.gather [hbm4b:s5+s3], $0x80, v4, vm0, $0xb8;
	[tilespmem:$0x18800] =	vst v63  }
0xcc: {  	s12 =	simm.s32 $0x1800  }
0xcd: {  	[tilespmem:s12], [sflag:$0x1] =	stream.indirect_vreg.gather [hbm4b:s6+s3], $0x80, v4, vm0, $0xb8;
	[tilespmem:$0x18800] =	vst v63  }
0xce: {  	s13 =	simm.s32 $0x2000  }
0xcf: {  	[tilespmem:s13], [sflag:$0x1] =	stream.indirect_vreg.gather [hbm4b:s2+s3], $0x80, v3, vm0, $0xb8;
	[tilespmem:$0x18800] =	vst v63  }
0xd0: {  	s16 =	simm.s32 $0x2800  }
0xd1: {  	[tilespmem:s16], [sflag:$0x1] =	stream.indirect_vreg.gather [hbm4b:s5+s3], $0x80, v3, vm0, $0xb8;
	[tilespmem:$0x18800] =	vst v63  }
0xd2: {  	s26 =	simm.s32 $0x3000  }
0xd3: {  	[tilespmem:s26], [sflag:$0x1] =	stream.indirect_vreg.gather [hbm4b:s6+s3], $0x80, v3, vm0, $0xb8;
	[tilespmem:$0x18800] =	vst v63  }
0xd4: {  	v3 =	vld [tilespmem:$0x110];
	_ =	sdelay $0x4  }
0xd5: {  	v9 =	vshrl.u32 v3, $0x3  }
0xd6: {  	v4 =	vmul.u32 $0x30, v9  }
0xd7: {  	v3 =	vand.u32 $0x7, v3  }
0xd8: {  	v3 =	vor.u32 v3, v4  }
0xd9: {  	v4 =	vperm.xlane v3, v0;
	_ =	sdelay $0x1  }
0xda: {  	v4 =	vadd.s32 v1, v4;
	_ =	sdelay $0x3  }
0xdb: {  	s28 =	simm.s32 $0x3800;
	v3 =	vperm.xlane v3, v2  }
0xdc: {  	[tilespmem:s28], [sflag:$0x1] =	stream.indirect_vreg.gather [hbm4b:s2+s3], $0x80, v4, vm0, $0xb8;
	[tilespmem:$0x18800] =	vst v63  }
0xdd: {  	s17 =	simm.s32 $0x4000;
	v3 =	vadd.s32 v1, v3  }
0xde: {  	[tilespmem:s17], [sflag:$0x1] =	stream.indirect_vreg.gather [hbm4b:s5+s3], $0x80, v4, vm0, $0xb8;
	[tilespmem:$0x18800] =	vst v63  }
0xdf: {  	s20 =	simm.s32 $0x4800  }
0xe0: {  	[tilespmem:s20], [sflag:$0x1] =	stream.indirect_vreg.gather [hbm4b:s6+s3], $0x80, v4, vm0, $0xb8;
	[tilespmem:$0x18800] =	vst v63  }
0xe1: {  	s21 =	simm.s32 $0x5000  }
0xe2: {  	[tilespmem:s21], [sflag:$0x1] =	stream.indirect_vreg.gather [hbm4b:s2+s3], $0x80, v3, vm0, $0xb8;
	[tilespmem:$0x18800] =	vst v63  }
0xe3: {  	s24 =	simm.s32 $0x5800  }
0xe4: {  	[tilespmem:s24], [sflag:$0x1] =	stream.indirect_vreg.gather [hbm4b:s5+s3], $0x80, v3, vm0, $0xb8;
	[tilespmem:$0x18800] =	vst v63  }
0xe5: {  	s29 =	simm.s32 $0x6000  }
0xe6: {  	[tilespmem:s29], [sflag:$0x1] =	stream.indirect_vreg.gather [hbm4b:s6+s3], $0x80, v3, vm0, $0xb8;
	[tilespmem:$0x18800] =	vst v63  }
0xe7: {  	v3 =	vld [tilespmem:$0x120];
	_ =	sdelay $0x4  }
0xe8: {  	v10 =	vshrl.u32 v3, $0x3  }
0xe9: {  	v4 =	vmul.u32 $0x30, v10  }
0xea: {  	v3 =	vand.u32 $0x7, v3  }
0xeb: {  	v3 =	vor.u32 v3, v4  }
0xec: {  	v4 =	vperm.xlane v3, v0;
	_ =	sdelay $0x1  }
0xed: {  	v4 =	vadd.s32 v1, v4;
	_ =	sdelay $0x3  }
0xee: {  	s9 =	simm.s32 $0x6800;
	v3 =	vperm.xlane v3, v2  }
0xef: {  	[tilespmem:s9], [sflag:$0x1] =	stream.indirect_vreg.gather [hbm4b:s2+s3], $0x80, v4, vm0, $0xb8;
	[tilespmem:$0x18800] =	vst v63  }
0xf0: {  	s26 =	simm.s32 $0x7000;
	v3 =	vadd.s32 v1, v3  }
0xf1: {  	[tilespmem:s26], [sflag:$0x1] =	stream.indirect_vreg.gather [hbm4b:s5+s3], $0x80, v4, vm0, $0xb8;
	[tilespmem:$0x18800] =	vst v63  }
0xf2: {  	s28 =	simm.s32 $0x7800  }
0xf3: {  	[tilespmem:s28], [sflag:$0x1] =	stream.indirect_vreg.gather [hbm4b:s6+s3], $0x80, v4, vm0, $0xb8;
	[tilespmem:$0x18800] =	vst v63  }
0xf4: {  	s29 =	simm.s32 $0x8000  }
0xf5: {  	[tilespmem:s29], [sflag:$0x1] =	stream.indirect_vreg.gather [hbm4b:s2+s3], $0x80, v3, vm0, $0xb8;
	[tilespmem:$0x18800] =	vst v63  }
0xf6: {  	s30 =	simm.s32 $0x8800  }
0xf7: {  	[tilespmem:s30], [sflag:$0x1] =	stream.indirect_vreg.gather [hbm4b:s5+s3], $0x80, v3, vm0, $0xb8;
	[tilespmem:$0x18800] =	vst v63  }
0xf8: {  	s25 =	simm.s32 $0x9000  }
0xf9: {  	[tilespmem:s25], [sflag:$0x1] =	stream.indirect_vreg.gather [hbm4b:s6+s3], $0x80, v3, vm0, $0xb8;
	[tilespmem:$0x18800] =	vst v63  }
0xfa: {  	v3 =	vld [tilespmem:$0x130];
	_ =	sdelay $0x4  }
0xfb: {  	v11 =	vshrl.u32 v3, $0x3  }
0xfc: {  	v4 =	vmul.u32 $0x30, v11  }
0xfd: {  	v3 =	vand.u32 $0x7, v3  }
0xfe: {  	v3 =	vor.u32 v3, v4  }
0xff: {  	v4 =	vperm.xlane v3, v0;
	_ =	sdelay $0x1  }
0x100: {  	v4 =	vadd.s32 v1, v4;
	_ =	sdelay $0x3  }
0x101: {  	s8 =	simm.s32 $0x9800;
	v3 =	vperm.xlane v3, v2  }
0x102: {  	[tilespmem:s8], [sflag:$0x1] =	stream.indirect_vreg.gather [hbm4b:s2+s3], $0x80, v4, vm0, $0xb8;
	[tilespmem:$0x18800] =	vst v63  }
0x103: {  	s31 =	simm.s32 $0xA000;
	v3 =	vadd.s32 v1, v3  }
0x104: {  	[tilespmem:s31], [sflag:$0x1] =	stream.indirect_vreg.gather [hbm4b:s5+s3], $0x80, v4, vm0, $0xb8;
	[tilespmem:$0x18800] =	vst v63  }
0x105: {  	s30 =	simm.s32 $0xA800  }
0x106: {  	[tilespmem:s30], [sflag:$0x1] =	stream.indirect_vreg.gather [hbm4b:s6+s3], $0x80, v4, vm0, $0xb8;
	[tilespmem:$0x18800] =	vst v63  }
0x107: {  	s31 =	simm.s32 $0xB000  }
0x108: {  	[tilespmem:s31], [sflag:$0x1] =	stream.indirect_vreg.gather [hbm4b:s2+s3], $0x80, v3, vm0, $0xb8;
	[tilespmem:$0x18800] =	vst v63  }
0x109: {  	s24 =	simm.s32 $0xB800  }
0x10a: {  	[tilespmem:s24], [sflag:$0x1] =	stream.indirect_vreg.gather [hbm4b:s5+s3], $0x80, v3, vm0, $0xb8;
	[tilespmem:$0x18800] =	vst v63  }
0x10b: {  	s1 =	simm.s32 $0xC000  }
0x10c: {  	[tilespmem:s1], [sflag:$0x1] =	stream.indirect_vreg.gather [hbm4b:s6+s3], $0x80, v3, vm0, $0xb8;
	[tilespmem:$0x18800] =	vst v63  }
0x10d: {  	s0 =	rddreg [dreg:$0x5];
	s7 =	simm.s32 $0xC800  }
0x10e: {  	[hbm4b:s0+s3] =	stream.linear.scatter [tilespmem:s7], [sflag:$0x2], $0xC000, $0x38;
	[tilespmem:$0x18800] =	vst v63  }
0x10f: {  	_ =	swait.ge [sflag:s4], $0xC000  }
0x110: {  	[sflag:s4] =	ssyncset.done $0x0  }
0x111: {  	[sflag:s4] =	ssyncadd.s32 $0xFFFF4000  }
0x112: {  	_ =	swait.ge [sflag:s10], $0xC000  }
0x113: {  	[sflag:s10] =	ssyncset.done $0x0  }
0x114: {  	[sflag:s10] =	ssyncadd.s32 $0xFFFF4000  }
0x115: {  	v3 =	vld [tilespmem:$0x180];
	_ =	sdelay $0x4  }
0x116: {  	v12 =	vshrl.u32 v3, $0x3  }
0x117: {  	v4 =	vmul.u32 $0x30, v12  }
0x118: {  	v3 =	vand.u32 $0x7, v3  }
0x119: {  	v3 =	vor.u32 v3, v4  }
0x11a: {  	v4 =	vperm.xlane v3, v0;
	_ =	sdelay $0x1  }
0x11b: {  	v4 =	vadd.s32 v1, v4;
	_ =	sdelay $0x3  }
0x11c: {  	v3 =	vperm.xlane v3, v2  }
0x11d: {  	[tilespmem:s7], [sflag:$0x1] =	stream.indirect_vreg.gather [hbm4b:s2+s3], $0x80, v4, vm0, $0xb8;
	[tilespmem:$0x18800] =	vst v63  }
0x11e: {  	v3 =	vadd.s32 v1, v3;
	s7 =	simm.s32 $0xD000  }
0x11f: {  	[tilespmem:s7], [sflag:$0x1] =	stream.indirect_vreg.gather [hbm4b:s5+s3], $0x80, v4, vm0, $0xb8;
	[tilespmem:$0x18800] =	vst v63  }
0x120: {  	s1 =	simm.s32 $0xD800  }
0x121: {  	[tilespmem:s1], [sflag:$0x1] =	stream.indirect_vreg.gather [hbm4b:s6+s3], $0x80, v4, vm0, $0xb8;
	[tilespmem:$0x18800] =	vst v63  }
0x122: {  	s12 =	simm.s32 $0xE000  }
0x123: {  	[tilespmem:s12], [sflag:$0x1] =	stream.indirect_vreg.gather [hbm4b:s2+s3], $0x80, v3, vm0, $0xb8;
	[tilespmem:$0x18800] =	vst v63  }
0x124: {  	s13 =	simm.s32 $0xE800  }
0x125: {  	[tilespmem:s13], [sflag:$0x1] =	stream.indirect_vreg.gather [hbm4b:s5+s3], $0x80, v3, vm0, $0xb8;
	[tilespmem:$0x18800] =	vst v63  }
0x126: {  	s14 =	simm.s32 $0xF000  }
0x127: {  	[tilespmem:s14], [sflag:$0x1] =	stream.indirect_vreg.gather [hbm4b:s6+s3], $0x80, v3, vm0, $0xb8;
	[tilespmem:$0x18800] =	vst v63  }
0x128: {  	v3 =	vld [tilespmem:$0x190];
	_ =	sdelay $0x4  }
0x129: {  	v13 =	vshrl.u32 v3, $0x3  }
0x12a: {  	v4 =	vmul.u32 $0x30, v13  }
0x12b: {  	v3 =	vand.u32 $0x7, v3  }
0x12c: {  	v3 =	vor.u32 v3, v4  }
0x12d: {  	v4 =	vperm.xlane v3, v0;
	_ =	sdelay $0x1  }
0x12e: {  	v4 =	vadd.s32 v1, v4;
	_ =	sdelay $0x3  }
0x12f: {  	s15 =	simm.s32 $0xF800;
	v3 =	vperm.xlane v3, v2  }
0x130: {  	[tilespmem:s15], [sflag:$0x1] =	stream.indirect_vreg.gather [hbm4b:s2+s3], $0x80, v4, vm0, $0xb8;
	[tilespmem:$0x18800] =	vst v63  }
0x131: {  	s14 =	simm.s32 $0x10000;
	v3 =	vadd.s32 v1, v3  }
0x132: {  	[tilespmem:s14], [sflag:$0x1] =	stream.indirect_vreg.gather [hbm4b:s5+s3], $0x80, v4, vm0, $0xb8;
	[tilespmem:$0x18800] =	vst v63  }
0x133: {  	s15 =	simm.s32 $0x10800  }
0x134: {  	[tilespmem:s15], [sflag:$0x1] =	stream.indirect_vreg.gather [hbm4b:s6+s3], $0x80, v4, vm0, $0xb8;
	[tilespmem:$0x18800] =	vst v63  }
0x135: {  	s16 =	simm.s32 $0x11000  }
0x136: {  	[tilespmem:s16], [sflag:$0x1] =	stream.indirect_vreg.gather [hbm4b:s2+s3], $0x80, v3, vm0, $0xb8;
	[tilespmem:$0x18800] =	vst v63  }
0x137: {  	s17 =	simm.s32 $0x11800  }
0x138: {  	[tilespmem:s17], [sflag:$0x1] =	stream.indirect_vreg.gather [hbm4b:s5+s3], $0x80, v3, vm0, $0xb8;
	[tilespmem:$0x18800] =	vst v63  }
0x139: {  	s18 =	simm.s32 $0x12000  }
0x13a: {  	[tilespmem:s18], [sflag:$0x1] =	stream.indirect_vreg.gather [hbm4b:s6+s3], $0x80, v3, vm0, $0xb8;
	[tilespmem:$0x18800] =	vst v63  }
0x13b: {  	v3 =	vld [tilespmem:$0x1A0];
	_ =	sdelay $0x4  }
0x13c: {  	v14 =	vshrl.u32 v3, $0x3  }
0x13d: {  	v4 =	vmul.u32 $0x30, v14  }
0x13e: {  	v3 =	vand.u32 $0x7, v3  }
0x13f: {  	v3 =	vor.u32 v3, v4  }
0x140: {  	v4 =	vperm.xlane v3, v0;
	_ =	sdelay $0x1  }
0x141: {  	v4 =	vadd.s32 v1, v4;
	_ =	sdelay $0x3  }
0x142: {  	s19 =	simm.s32 $0x12800;
	v3 =	vperm.xlane v3, v2  }
0x143: {  	[tilespmem:s19], [sflag:$0x1] =	stream.indirect_vreg.gather [hbm4b:s2+s3], $0x80, v4, vm0, $0xb8;
	[tilespmem:$0x18800] =	vst v63  }
0x144: {  	s18 =	simm.s32 $0x13000;
	v3 =	vadd.s32 v1, v3  }
0x145: {  	[tilespmem:s18], [sflag:$0x1] =	stream.indirect_vreg.gather [hbm4b:s5+s3], $0x80, v4, vm0, $0xb8;
	[tilespmem:$0x18800] =	vst v63  }
0x146: {  	s19 =	simm.s32 $0x13800  }
0x147: {  	[tilespmem:s19], [sflag:$0x1] =	stream.indirect_vreg.gather [hbm4b:s6+s3], $0x80, v4, vm0, $0xb8;
	[tilespmem:$0x18800] =	vst v63  }
0x148: {  	s20 =	simm.s32 $0x14000  }
0x149: {  	[tilespmem:s20], [sflag:$0x1] =	stream.indirect_vreg.gather [hbm4b:s2+s3], $0x80, v3, vm0, $0xb8;
	[tilespmem:$0x18800] =	vst v63  }
0x14a: {  	s21 =	simm.s32 $0x14800  }
0x14b: {  	[tilespmem:s21], [sflag:$0x1] =	stream.indirect_vreg.gather [hbm4b:s5+s3], $0x80, v3, vm0, $0xb8;
	[tilespmem:$0x18800] =	vst v63  }
0x14c: {  	s22 =	simm.s32 $0x15000  }
0x14d: {  	[tilespmem:s22], [sflag:$0x1] =	stream.indirect_vreg.gather [hbm4b:s6+s3], $0x80, v3, vm0, $0xb8;
	[tilespmem:$0x18800] =	vst v63  }
0x14e: {  	v3 =	vld [tilespmem:$0x1B0];
	_ =	sdelay $0x4  }
0x14f: {  	v15 =	vshrl.u32 v3, $0x3  }
0x150: {  	v4 =	vmul.u32 $0x30, v15  }
0x151: {  	v3 =	vand.u32 $0x7, v3  }
0x152: {  	v3 =	vor.u32 v3, v4  }
0x153: {  	v4 =	vperm.xlane v3, v0;
	_ =	sdelay $0x1  }
0x154: {  	v4 =	vadd.s32 v1, v4;
	_ =	sdelay $0x3  }
0x155: {  	s23 =	simm.s32 $0x15800;
	v3 =	vperm.xlane v3, v2  }
0x156: {  	[tilespmem:s23], [sflag:$0x1] =	stream.indirect_vreg.gather [hbm4b:s2+s3], $0x80, v4, vm0, $0xb8;
	[tilespmem:$0x18800] =	vst v63  }
0x157: {  	s22 =	simm.s32 $0x16000;
	v3 =	vadd.s32 v1, v3  }
0x158: {  	[tilespmem:s22], [sflag:$0x1] =	stream.indirect_vreg.gather [hbm4b:s5+s3], $0x80, v4, vm0, $0xb8;
	[tilespmem:$0x18800] =	vst v63  }
0x159: {  	s23 =	simm.s32 $0x16800  }
0x15a: {  	[tilespmem:s23], [sflag:$0x1] =	stream.indirect_vreg.gather [hbm4b:s6+s3], $0x80, v4, vm0, $0xb8;
	[tilespmem:$0x18800] =	vst v63  }
0x15b: {  	s24 =	simm.s32 $0x17000  }
0x15c: {  	[tilespmem:s24], [sflag:$0x1] =	stream.indirect_vreg.gather [hbm4b:s2+s3], $0x80, v3, vm0, $0xb8;
	[tilespmem:$0x18800] =	vst v63  }
0x15d: {  	s11 =	simm.s32 $0x17800  }
0x15e: {  	[tilespmem:s11], [sflag:$0x1] =	stream.indirect_vreg.gather [hbm4b:s5+s3], $0x80, v3, vm0, $0xb8;
	[tilespmem:$0x18800] =	vst v63  }
0x15f: {  	s0 =	simm.s32 $0x18000  }
0x160: {  	[tilespmem:s0], [sflag:$0x1] =	stream.indirect_vreg.gather [hbm4b:s6+s3], $0x80, v3, vm0, $0xb8;
	[tilespmem:$0x18800] =	vst v63  }
0x161: {  	s11 =	rddreg [dreg:$0x6];
	s0 =	simm.s32 $0x800  }
0x162: {  	[hbm4b:s11+s3] =	stream.linear.scatter [tilespmem:s0], [sflag:$0x2], $0xC000, $0x38;
	[tilespmem:$0x18800] =	vst v63  }
0x163: {  	_ =	swait.ge [sflag:s4], $0xC000  }
0x164: {  	[sflag:s4] =	ssyncset.done $0x0  }
0x165: {  	[sflag:s4] =	ssyncadd.s32 $0xFFFF4000  }
0x166: {  	_ =	swait.ge [sflag:s10], $0xC000  }
0x167: {  	[sflag:s10] =	ssyncset.done $0x0  }
0x168: {  	[sflag:s10] =	ssyncadd.s32 $0xFFFF4000  }
0x169: {  	v3 =	vld [tilespmem:$0x200];
	_ =	sdelay $0x4  }
0x16a: {  	v16 =	vshrl.u32 v3, $0x3  }
0x16b: {  	v4 =	vmul.u32 $0x30, v16  }
0x16c: {  	v3 =	vand.u32 $0x7, v3  }
0x16d: {  	v3 =	vor.u32 v3, v4  }
0x16e: {  	v4 =	vperm.xlane v3, v0;
	_ =	sdelay $0x1  }
0x16f: {  	v4 =	vadd.s32 v1, v4;
	_ =	sdelay $0x3  }
0x170: {  	v3 =	vperm.xlane v3, v2  }
0x171: {  	[tilespmem:s0], [sflag:$0x1] =	stream.indirect_vreg.gather [hbm4b:s2+s3], $0x80, v4, vm0, $0xb8;
	[tilespmem:$0x18800] =	vst v63  }
0x172: {  	s11 =	simm.s32 $0x1000;
	v3 =	vadd.s32 v1, v3  }
0x173: {  	[tilespmem:s11], [sflag:$0x1] =	stream.indirect_vreg.gather [hbm4b:s5+s3], $0x80, v4, vm0, $0xb8;
	[tilespmem:$0x18800] =	vst v63  }
0x174: {  	s11 =	simm.s32 $0x1800  }
0x175: {  	[tilespmem:s11], [sflag:$0x1] =	stream.indirect_vreg.gather [hbm4b:s6+s3], $0x80, v4, vm0, $0xb8;
	[tilespmem:$0x18800] =	vst v63  }
0x176: {  	s11 =	simm.s32 $0x2000  }
0x177: {  	[tilespmem:s11], [sflag:$0x1] =	stream.indirect_vreg.gather [hbm4b:s2+s3], $0x80, v3, vm0, $0xb8;
	[tilespmem:$0x18800] =	vst v63  }
0x178: {  	s11 =	simm.s32 $0x2800  }
0x179: {  	[tilespmem:s11], [sflag:$0x1] =	stream.indirect_vreg.gather [hbm4b:s5+s3], $0x80, v3, vm0, $0xb8;
	[tilespmem:$0x18800] =	vst v63  }
0x17a: {  	s11 =	simm.s32 $0x3000  }
0x17b: {  	[tilespmem:s11], [sflag:$0x1] =	stream.indirect_vreg.gather [hbm4b:s6+s3], $0x80, v3, vm0, $0xb8;
	[tilespmem:$0x18800] =	vst v63  }
0x17c: {  	v3 =	vld [tilespmem:$0x210];
	_ =	sdelay $0x4  }
0x17d: {  	v17 =	vshrl.u32 v3, $0x3  }
0x17e: {  	v4 =	vmul.u32 $0x30, v17  }
0x17f: {  	v3 =	vand.u32 $0x7, v3  }
0x180: {  	v3 =	vor.u32 v3, v4  }
0x181: {  	v4 =	vperm.xlane v3, v0;
	_ =	sdelay $0x1  }
0x182: {  	v4 =	vadd.s32 v1, v4;
	_ =	sdelay $0x3  }
0x183: {  	s11 =	simm.s32 $0x3800;
	v3 =	vperm.xlane v3, v2  }
0x184: {  	[tilespmem:s11], [sflag:$0x1] =	stream.indirect_vreg.gather [hbm4b:s2+s3], $0x80, v4, vm0, $0xb8;
	[tilespmem:$0x18800] =	vst v63  }
0x185: {  	v3 =	vadd.s32 v1, v3;
	s11 =	simm.s32 $0x4000  }
0x186: {  	[tilespmem:s11], [sflag:$0x1] =	stream.indirect_vreg.gather [hbm4b:s5+s3], $0x80, v4, vm0, $0xb8;
	[tilespmem:$0x18800] =	vst v63  }
0x187: {  	s11 =	simm.s32 $0x4800  }
0x188: {  	[tilespmem:s11], [sflag:$0x1] =	stream.indirect_vreg.gather [hbm4b:s6+s3], $0x80, v4, vm0, $0xb8;
	[tilespmem:$0x18800] =	vst v63  }
0x189: {  	s11 =	simm.s32 $0x5000  }
0x18a: {  	[tilespmem:s11], [sflag:$0x1] =	stream.indirect_vreg.gather [hbm4b:s2+s3], $0x80, v3, vm0, $0xb8;
	[tilespmem:$0x18800] =	vst v63  }
0x18b: {  	s11 =	simm.s32 $0x5800  }
0x18c: {  	[tilespmem:s11], [sflag:$0x1] =	stream.indirect_vreg.gather [hbm4b:s5+s3], $0x80, v3, vm0, $0xb8;
	[tilespmem:$0x18800] =	vst v63  }
0x18d: {  	s11 =	simm.s32 $0x6000  }
0x18e: {  	[tilespmem:s11], [sflag:$0x1] =	stream.indirect_vreg.gather [hbm4b:s6+s3], $0x80, v3, vm0, $0xb8;
	[tilespmem:$0x18800] =	vst v63  }
0x18f: {  	v3 =	vld [tilespmem:$0x220];
	_ =	sdelay $0x4  }
0x190: {  	v18 =	vshrl.u32 v3, $0x3  }
0x191: {  	v4 =	vmul.u32 $0x30, v18  }
0x192: {  	v3 =	vand.u32 $0x7, v3  }
0x193: {  	v3 =	vor.u32 v3, v4  }
0x194: {  	v4 =	vperm.xlane v3, v0;
	_ =	sdelay $0x1  }
0x195: {  	v4 =	vadd.s32 v1, v4;
	_ =	sdelay $0x3  }
0x196: {  	v3 =	vperm.xlane v3, v2  }
0x197: {  	[tilespmem:s9], [sflag:$0x1] =	stream.indirect_vreg.gather [hbm4b:s2+s3], $0x80, v4, vm0, $0xb8;
	[tilespmem:$0x18800] =	vst v63  }
0x198: {  	v3 =	vadd.s32 v1, v3  }
0x199: {  	[tilespmem:s26], [sflag:$0x1] =	stream.indirect_vreg.gather [hbm4b:s5+s3], $0x80, v4, vm0, $0xb8;
	[tilespmem:$0x18800] =	vst v63  }
0x19a: {  	_ = 	snop  }
0x19b: {  	[tilespmem:s28], [sflag:$0x1] =	stream.indirect_vreg.gather [hbm4b:s6+s3], $0x80, v4, vm0, $0xb8;
	[tilespmem:$0x18800] =	vst v63  }
0x19c: {  	_ = 	snop  }
0x19d: {  	[tilespmem:s29], [sflag:$0x1] =	stream.indirect_vreg.gather [hbm4b:s2+s3], $0x80, v3, vm0, $0xb8;
	[tilespmem:$0x18800] =	vst v63  }
0x19e: {  	s26 =	simm.s32 $0x8800  }
0x19f: {  	[tilespmem:s26], [sflag:$0x1] =	stream.indirect_vreg.gather [hbm4b:s5+s3], $0x80, v3, vm0, $0xb8;
	[tilespmem:$0x18800] =	vst v63  }
0x1a0: {  	_ = 	snop  }
0x1a1: {  	[tilespmem:s25], [sflag:$0x1] =	stream.indirect_vreg.gather [hbm4b:s6+s3], $0x80, v3, vm0, $0xb8;
	[tilespmem:$0x18800] =	vst v63  }
0x1a2: {  	v3 =	vld [tilespmem:$0x230];
	_ =	sdelay $0x4  }
0x1a3: {  	v19 =	vshrl.u32 v3, $0x3  }
0x1a4: {  	v4 =	vmul.u32 $0x30, v19  }
0x1a5: {  	v3 =	vand.u32 $0x7, v3  }
0x1a6: {  	v3 =	vor.u32 v3, v4  }
0x1a7: {  	v4 =	vperm.xlane v3, v0;
	_ =	sdelay $0x1  }
0x1a8: {  	v4 =	vadd.s32 v1, v4;
	_ =	sdelay $0x3  }
0x1a9: {  	v3 =	vperm.xlane v3, v2  }
0x1aa: {  	[tilespmem:s8], [sflag:$0x1] =	stream.indirect_vreg.gather [hbm4b:s2+s3], $0x80, v4, vm0, $0xb8;
	[tilespmem:$0x18800] =	vst v63  }
0x1ab: {  	s28 =	simm.s32 $0xA000;
	v3 =	vadd.s32 v1, v3  }
0x1ac: {  	[tilespmem:s28], [sflag:$0x1] =	stream.indirect_vreg.gather [hbm4b:s5+s3], $0x80, v4, vm0, $0xb8;
	[tilespmem:$0x18800] =	vst v63  }
0x1ad: {  	_ = 	snop  }
0x1ae: {  	[tilespmem:s30], [sflag:$0x1] =	stream.indirect_vreg.gather [hbm4b:s6+s3], $0x80, v4, vm0, $0xb8;
	[tilespmem:$0x18800] =	vst v63  }
0x1af: {  	_ = 	snop  }
0x1b0: {  	[tilespmem:s31], [sflag:$0x1] =	stream.indirect_vreg.gather [hbm4b:s2+s3], $0x80, v3, vm0, $0xb8;
	[tilespmem:$0x18800] =	vst v63  }
0x1b1: {  	s29 =	simm.s32 $0xB800  }
0x1b2: {  	[tilespmem:s29], [sflag:$0x1] =	stream.indirect_vreg.gather [hbm4b:s5+s3], $0x80, v3, vm0, $0xb8;
	[tilespmem:$0x18800] =	vst v63  }
0x1b3: {  	s31 =	simm.s32 $0xC000  }
0x1b4: {  	[tilespmem:s31], [sflag:$0x1] =	stream.indirect_vreg.gather [hbm4b:s6+s3], $0x80, v3, vm0, $0xb8;
	[tilespmem:$0x18800] =	vst v63  }
0x1b5: {  	s9 =	simm.s32 $0xC800;
	s30 =	rddreg [dreg:$0x7]  }
0x1b6: {  	[hbm4b:s30+s3] =	stream.linear.scatter [tilespmem:s9], [sflag:$0x2], $0xC000, $0x38;
	[tilespmem:$0x18800] =	vst v63  }
0x1b7: {  	_ =	swait.ge [sflag:s4], $0xC000  }
0x1b8: {  	[sflag:s4] =	ssyncset.done $0x0  }
0x1b9: {  	[sflag:s4] =	ssyncadd.s32 $0xFFFF4000  }
0x1ba: {  	_ =	swait.ge [sflag:s10], $0xC000  }
0x1bb: {  	[sflag:s10] =	ssyncset.done $0x0  }
0x1bc: {  	[sflag:s10] =	ssyncadd.s32 $0xFFFF4000  }
0x1bd: {  	v3 =	vld [tilespmem:$0x280];
	_ =	sdelay $0x4  }
0x1be: {  	v20 =	vshrl.u32 v3, $0x3  }
0x1bf: {  	v4 =	vmul.u32 $0x30, v20  }
0x1c0: {  	v3 =	vand.u32 $0x7, v3  }
0x1c1: {  	v3 =	vor.u32 v3, v4  }
0x1c2: {  	v4 =	vperm.xlane v3, v0;
	_ =	sdelay $0x1  }
0x1c3: {  	v4 =	vadd.s32 v1, v4;
	_ =	sdelay $0x3  }
0x1c4: {  	v3 =	vperm.xlane v3, v2  }
0x1c5: {  	[tilespmem:s9], [sflag:$0x1] =	stream.indirect_vreg.gather [hbm4b:s2+s3], $0x80, v4, vm0, $0xb8;
	[tilespmem:$0x18800] =	vst v63  }
0x1c6: {  	v3 =	vadd.s32 v1, v3  }
0x1c7: {  	[tilespmem:s7], [sflag:$0x1] =	stream.indirect_vreg.gather [hbm4b:s5+s3], $0x80, v4, vm0, $0xb8;
	[tilespmem:$0x18800] =	vst v63  }
0x1c8: {  	_ = 	snop  }
0x1c9: {  	[tilespmem:s1], [sflag:$0x1] =	stream.indirect_vreg.gather [hbm4b:s6+s3], $0x80, v4, vm0, $0xb8;
	[tilespmem:$0x18800] =	vst v63  }
0x1ca: {  	_ = 	snop  }
0x1cb: {  	[tilespmem:s12], [sflag:$0x1] =	stream.indirect_vreg.gather [hbm4b:s2+s3], $0x80, v3, vm0, $0xb8;
	[tilespmem:$0x18800] =	vst v63  }
0x1cc: {  	_ = 	snop  }
0x1cd: {  	[tilespmem:s13], [sflag:$0x1] =	stream.indirect_vreg.gather [hbm4b:s5+s3], $0x80, v3, vm0, $0xb8;
	[tilespmem:$0x18800] =	vst v63  }
0x1ce: {  	s9 =	simm.s32 $0xF000  }
0x1cf: {  	[tilespmem:s9], [sflag:$0x1] =	stream.indirect_vreg.gather [hbm4b:s6+s3], $0x80, v3, vm0, $0xb8;
	[tilespmem:$0x18800] =	vst v63  }
0x1d0: {  	v3 =	vld [tilespmem:$0x290];
	_ =	sdelay $0x4  }
0x1d1: {  	v21 =	vshrl.u32 v3, $0x3  }
0x1d2: {  	v4 =	vmul.u32 $0x30, v21  }
0x1d3: {  	v3 =	vand.u32 $0x7, v3  }
0x1d4: {  	v3 =	vor.u32 v3, v4  }
0x1d5: {  	v4 =	vperm.xlane v3, v0;
	_ =	sdelay $0x1  }
0x1d6: {  	v4 =	vadd.s32 v1, v4;
	_ =	sdelay $0x3  }
0x1d7: {  	s12 =	simm.s32 $0xF800;
	v3 =	vperm.xlane v3, v2  }
0x1d8: {  	[tilespmem:s12], [sflag:$0x1] =	stream.indirect_vreg.gather [hbm4b:s2+s3], $0x80, v4, vm0, $0xb8;
	[tilespmem:$0x18800] =	vst v63  }
0x1d9: {  	v3 =	vadd.s32 v1, v3  }
0x1da: {  	[tilespmem:s14], [sflag:$0x1] =	stream.indirect_vreg.gather [hbm4b:s5+s3], $0x80, v4, vm0, $0xb8;
	[tilespmem:$0x18800] =	vst v63  }
0x1db: {  	_ = 	snop  }
0x1dc: {  	[tilespmem:s15], [sflag:$0x1] =	stream.indirect_vreg.gather [hbm4b:s6+s3], $0x80, v4, vm0, $0xb8;
	[tilespmem:$0x18800] =	vst v63  }
0x1dd: {  	_ = 	snop  }
0x1de: {  	[tilespmem:s16], [sflag:$0x1] =	stream.indirect_vreg.gather [hbm4b:s2+s3], $0x80, v3, vm0, $0xb8;
	[tilespmem:$0x18800] =	vst v63  }
0x1df: {  	_ = 	snop  }
0x1e0: {  	[tilespmem:s17], [sflag:$0x1] =	stream.indirect_vreg.gather [hbm4b:s5+s3], $0x80, v3, vm0, $0xb8;
	[tilespmem:$0x18800] =	vst v63  }
0x1e1: {  	s13 =	simm.s32 $0x12000  }
0x1e2: {  	[tilespmem:s13], [sflag:$0x1] =	stream.indirect_vreg.gather [hbm4b:s6+s3], $0x80, v3, vm0, $0xb8;
	[tilespmem:$0x18800] =	vst v63  }
0x1e3: {  	v3 =	vld [tilespmem:$0x2A0];
	_ =	sdelay $0x4  }
0x1e4: {  	v22 =	vshrl.u32 v3, $0x3  }
0x1e5: {  	v4 =	vmul.u32 $0x30, v22  }
0x1e6: {  	v3 =	vand.u32 $0x7, v3  }
0x1e7: {  	v3 =	vor.u32 v3, v4  }
0x1e8: {  	v4 =	vperm.xlane v3, v0;
	_ =	sdelay $0x1  }
0x1e9: {  	v4 =	vadd.s32 v1, v4;
	_ =	sdelay $0x3  }
0x1ea: {  	s14 =	simm.s32 $0x12800;
	v3 =	vperm.xlane v3, v2  }
0x1eb: {  	[tilespmem:s14], [sflag:$0x1] =	stream.indirect_vreg.gather [hbm4b:s2+s3], $0x80, v4, vm0, $0xb8;
	[tilespmem:$0x18800] =	vst v63  }
0x1ec: {  	v3 =	vadd.s32 v1, v3  }
0x1ed: {  	[tilespmem:s18], [sflag:$0x1] =	stream.indirect_vreg.gather [hbm4b:s5+s3], $0x80, v4, vm0, $0xb8;
	[tilespmem:$0x18800] =	vst v63  }
0x1ee: {  	_ = 	snop  }
0x1ef: {  	[tilespmem:s19], [sflag:$0x1] =	stream.indirect_vreg.gather [hbm4b:s6+s3], $0x80, v4, vm0, $0xb8;
	[tilespmem:$0x18800] =	vst v63  }
0x1f0: {  	_ = 	snop  }
0x1f1: {  	[tilespmem:s20], [sflag:$0x1] =	stream.indirect_vreg.gather [hbm4b:s2+s3], $0x80, v3, vm0, $0xb8;
	[tilespmem:$0x18800] =	vst v63  }
0x1f2: {  	_ = 	snop  }
0x1f3: {  	[tilespmem:s21], [sflag:$0x1] =	stream.indirect_vreg.gather [hbm4b:s5+s3], $0x80, v3, vm0, $0xb8;
	[tilespmem:$0x18800] =	vst v63  }
0x1f4: {  	s15 =	simm.s32 $0x15000  }
0x1f5: {  	[tilespmem:s15], [sflag:$0x1] =	stream.indirect_vreg.gather [hbm4b:s6+s3], $0x80, v3, vm0, $0xb8;
	[tilespmem:$0x18800] =	vst v63  }
0x1f6: {  	v3 =	vld [tilespmem:$0x2B0];
	_ =	sdelay $0x4  }
0x1f7: {  	v23 =	vshrl.u32 v3, $0x3  }
0x1f8: {  	v4 =	vmul.u32 $0x30, v23  }
0x1f9: {  	v3 =	vand.u32 $0x7, v3  }
0x1fa: {  	v3 =	vor.u32 v3, v4  }
0x1fb: {  	v4 =	vperm.xlane v3, v0;
	_ =	sdelay $0x1  }
0x1fc: {  	v4 =	vadd.s32 v1, v4;
	_ =	sdelay $0x3  }
0x1fd: {  	s16 =	simm.s32 $0x15800;
	v3 =	vperm.xlane v3, v2  }
0x1fe: {  	[tilespmem:s16], [sflag:$0x1] =	stream.indirect_vreg.gather [hbm4b:s2+s3], $0x80, v4, vm0, $0xb8;
	[tilespmem:$0x18800] =	vst v63  }
0x1ff: {  	v3 =	vadd.s32 v1, v3  }
0x200: {  	[tilespmem:s22], [sflag:$0x1] =	stream.indirect_vreg.gather [hbm4b:s5+s3], $0x80, v4, vm0, $0xb8;
	[tilespmem:$0x18800] =	vst v63  }
0x201: {  	_ = 	snop  }
0x202: {  	[tilespmem:s23], [sflag:$0x1] =	stream.indirect_vreg.gather [hbm4b:s6+s3], $0x80, v4, vm0, $0xb8;
	[tilespmem:$0x18800] =	vst v63  }
0x203: {  	_ = 	snop  }
0x204: {  	[tilespmem:s24], [sflag:$0x1] =	stream.indirect_vreg.gather [hbm4b:s2+s3], $0x80, v3, vm0, $0xb8;
	[tilespmem:$0x18800] =	vst v63  }
0x205: {  	s7 =	simm.s32 $0x17800  }
0x206: {  	[tilespmem:s7], [sflag:$0x1] =	stream.indirect_vreg.gather [hbm4b:s5+s3], $0x80, v3, vm0, $0xb8;
	[tilespmem:$0x18800] =	vst v63  }
0x207: {  	s1 =	simm.s32 $0x18000  }
0x208: {  	[tilespmem:s1], [sflag:$0x1] =	stream.indirect_vreg.gather [hbm4b:s6+s3], $0x80, v3, vm0, $0xb8;
	[tilespmem:$0x18800] =	vst v63  }
0x209: {  	s20 =	rddreg [dreg:$0x8];
	s21 =	simm.s32 $0x800  }
0x20a: {  	[hbm4b:s20+s3] =	stream.linear.scatter [tilespmem:s21], [sflag:$0x2], $0xC000, $0x38;
	[tilespmem:$0x18800] =	vst v63  }
0x20b: {  	_ =	swait.ge [sflag:s4], $0xC000  }
0x20c: {  	[sflag:s4] =	ssyncset.done $0x0  }
0x20d: {  	[sflag:s4] =	ssyncadd.s32 $0xFFFF4000  }
0x20e: {  	_ =	swait.ge [sflag:s10], $0xC000  }
0x20f: {  	[sflag:s10] =	ssyncset.done $0x0  }
0x210: {  	[sflag:s10] =	ssyncadd.s32 $0xFFFF4000  }
0x211: {  	v3 =	vld [tilespmem:$0x300];
	_ =	sdelay $0x4  }
0x212: {  	v24 =	vshrl.u32 v3, $0x3  }
0x213: {  	v4 =	vmul.u32 $0x30, v24  }
0x214: {  	v3 =	vand.u32 $0x7, v3  }
0x215: {  	v3 =	vor.u32 v3, v4  }
0x216: {  	v4 =	vperm.xlane v3, v0;
	_ =	sdelay $0x1  }
0x217: {  	v4 =	vadd.s32 v1, v4;
	_ =	sdelay $0x3  }
0x218: {  	v3 =	vperm.xlane v3, v2  }
0x219: {  	[tilespmem:s21], [sflag:$0x1] =	stream.indirect_vreg.gather [hbm4b:s2+s3], $0x80, v4, vm0, $0xb8;
	[tilespmem:$0x18800] =	vst v63  }
0x21a: {  	s22 =	simm.s32 $0x1000;
	v3 =	vadd.s32 v1, v3  }
0x21b: {  	[tilespmem:s22], [sflag:$0x1] =	stream.indirect_vreg.gather [hbm4b:s5+s3], $0x80, v4, vm0, $0xb8;
	[tilespmem:$0x18800] =	vst v63  }
0x21c: {  	s23 =	simm.s32 $0x1800  }
0x21d: {  	[tilespmem:s23], [sflag:$0x1] =	stream.indirect_vreg.gather [hbm4b:s6+s3], $0x80, v4, vm0, $0xb8;
	[tilespmem:$0x18800] =	vst v63  }
0x21e: {  	s24 =	simm.s32 $0x2000  }
0x21f: {  	[tilespmem:s24], [sflag:$0x1] =	stream.indirect_vreg.gather [hbm4b:s2+s3], $0x80, v3, vm0, $0xb8;
	[tilespmem:$0x18800] =	vst v63  }
0x220: {  	s28 =	simm.s32 $0x2800  }
0x221: {  	[tilespmem:s28], [sflag:$0x1] =	stream.indirect_vreg.gather [hbm4b:s5+s3], $0x80, v3, vm0, $0xb8;
	[tilespmem:$0x18800] =	vst v63  }
0x222: {  	s29 =	simm.s32 $0x3000  }
0x223: {  	[tilespmem:s29], [sflag:$0x1] =	stream.indirect_vreg.gather [hbm4b:s6+s3], $0x80, v3, vm0, $0xb8;
	[tilespmem:$0x18800] =	vst v63  }
0x224: {  	v3 =	vld [tilespmem:$0x310];
	_ =	sdelay $0x4  }
0x225: {  	v25 =	vshrl.u32 v3, $0x3  }
0x226: {  	v4 =	vmul.u32 $0x30, v25  }
0x227: {  	v3 =	vand.u32 $0x7, v3  }
0x228: {  	v3 =	vor.u32 v3, v4  }
0x229: {  	v4 =	vperm.xlane v3, v0;
	_ =	sdelay $0x1  }
0x22a: {  	v4 =	vadd.s32 v1, v4;
	_ =	sdelay $0x3  }
0x22b: {  	s30 =	simm.s32 $0x3800;
	v3 =	vperm.xlane v3, v2  }
0x22c: {  	[tilespmem:s30], [sflag:$0x1] =	stream.indirect_vreg.gather [hbm4b:s2+s3], $0x80, v4, vm0, $0xb8;
	[tilespmem:$0x18800] =	vst v63  }
0x22d: {  	s31 =	simm.s32 $0x4000;
	v3 =	vadd.s32 v1, v3  }
0x22e: {  	[tilespmem:s31], [sflag:$0x1] =	stream.indirect_vreg.gather [hbm4b:s5+s3], $0x80, v4, vm0, $0xb8;
	[tilespmem:$0x18800] =	vst v63  }
0x22f: {  	s11 =	simm.s32 $0x4800  }
0x230: {  	[tilespmem:s11], [sflag:$0x1] =	stream.indirect_vreg.gather [hbm4b:s6+s3], $0x80, v4, vm0, $0xb8;
	[tilespmem:$0x18800] =	vst v63  }
0x231: {  	s17 =	simm.s32 $0x5000  }
0x232: {  	[tilespmem:s17], [sflag:$0x1] =	stream.indirect_vreg.gather [hbm4b:s2+s3], $0x80, v3, vm0, $0xb8;
	[tilespmem:$0x18800] =	vst v63  }
0x233: {  	s18 =	simm.s32 $0x5800  }
0x234: {  	[tilespmem:s18], [sflag:$0x1] =	stream.indirect_vreg.gather [hbm4b:s5+s3], $0x80, v3, vm0, $0xb8;
	[tilespmem:$0x18800] =	vst v63  }
0x235: {  	s19 =	simm.s32 $0x6000  }
0x236: {  	[tilespmem:s19], [sflag:$0x1] =	stream.indirect_vreg.gather [hbm4b:s6+s3], $0x80, v3, vm0, $0xb8;
	[tilespmem:$0x18800] =	vst v63  }
0x237: {  	v3 =	vld [tilespmem:$0x320];
	_ =	sdelay $0x4  }
0x238: {  	v26 =	vshrl.u32 v3, $0x3  }
0x239: {  	v4 =	vmul.u32 $0x30, v26  }
0x23a: {  	v3 =	vand.u32 $0x7, v3  }
0x23b: {  	v3 =	vor.u32 v3, v4  }
0x23c: {  	v4 =	vperm.xlane v3, v0;
	_ =	sdelay $0x1  }
0x23d: {  	v4 =	vadd.s32 v1, v4;
	_ =	sdelay $0x3  }
0x23e: {  	s31 =	simm.s32 $0x6800;
	v3 =	vperm.xlane v3, v2  }
0x23f: {  	[tilespmem:s31], [sflag:$0x1] =	stream.indirect_vreg.gather [hbm4b:s2+s3], $0x80, v4, vm0, $0xb8;
	[tilespmem:$0x18800] =	vst v63  }
0x240: {  	s28 =	simm.s32 $0x7000;
	v3 =	vadd.s32 v1, v3  }
0x241: {  	[tilespmem:s28], [sflag:$0x1] =	stream.indirect_vreg.gather [hbm4b:s5+s3], $0x80, v4, vm0, $0xb8;
	[tilespmem:$0x18800] =	vst v63  }
0x242: {  	s29 =	simm.s32 $0x7800  }
0x243: {  	[tilespmem:s29], [sflag:$0x1] =	stream.indirect_vreg.gather [hbm4b:s6+s3], $0x80, v4, vm0, $0xb8;
	[tilespmem:$0x18800] =	vst v63  }
0x244: {  	s30 =	simm.s32 $0x8000  }
0x245: {  	[tilespmem:s30], [sflag:$0x1] =	stream.indirect_vreg.gather [hbm4b:s2+s3], $0x80, v3, vm0, $0xb8;
	[tilespmem:$0x18800] =	vst v63  }
0x246: {  	_ = 	snop  }
0x247: {  	[tilespmem:s26], [sflag:$0x1] =	stream.indirect_vreg.gather [hbm4b:s5+s3], $0x80, v3, vm0, $0xb8;
	[tilespmem:$0x18800] =	vst v63  }
0x248: {  	s20 =	simm.s32 $0x9000  }
0x249: {  	[tilespmem:s20], [sflag:$0x1] =	stream.indirect_vreg.gather [hbm4b:s6+s3], $0x80, v3, vm0, $0xb8;
	[tilespmem:$0x18800] =	vst v63  }
0x24a: {  	v3 =	vld [tilespmem:$0x330];
	_ =	sdelay $0x4  }
0x24b: {  	v27 =	vshrl.u32 v3, $0x3  }
0x24c: {  	v4 =	vmul.u32 $0x30, v27  }
0x24d: {  	v3 =	vand.u32 $0x7, v3  }
0x24e: {  	v3 =	vor.u32 v3, v4  }
0x24f: {  	v4 =	vperm.xlane v3, v0;
	_ =	sdelay $0x1  }
0x250: {  	v4 =	vadd.s32 v1, v4;
	_ =	sdelay $0x3  }
0x251: {  	s21 =	simm.s32 $0x9800;
	v3 =	vperm.xlane v3, v2  }
0x252: {  	[tilespmem:s21], [sflag:$0x1] =	stream.indirect_vreg.gather [hbm4b:s2+s3], $0x80, v4, vm0, $0xb8;
	[tilespmem:$0x18800] =	vst v63  }
0x253: {  	s24 =	simm.s32 $0xA000;
	v3 =	vadd.s32 v1, v3  }
0x254: {  	[tilespmem:s24], [sflag:$0x1] =	stream.indirect_vreg.gather [hbm4b:s5+s3], $0x80, v4, vm0, $0xb8;
	[tilespmem:$0x18800] =	vst v63  }
0x255: {  	s8 =	simm.s32 $0xA800  }
0x256: {  	[tilespmem:s8], [sflag:$0x1] =	stream.indirect_vreg.gather [hbm4b:s6+s3], $0x80, v4, vm0, $0xb8;
	[tilespmem:$0x18800] =	vst v63  }
0x257: {  	s25 =	simm.s32 $0xB000  }
0x258: {  	[tilespmem:s25], [sflag:$0x1] =	stream.indirect_vreg.gather [hbm4b:s2+s3], $0x80, v3, vm0, $0xb8;
	[tilespmem:$0x18800] =	vst v63  }
0x259: {  	s0 =	simm.s32 $0xB800  }
0x25a: {  	[tilespmem:s0], [sflag:$0x1] =	stream.indirect_vreg.gather [hbm4b:s5+s3], $0x80, v3, vm0, $0xb8;
	[tilespmem:$0x18800] =	vst v63  }
0x25b: {  	s26 =	simm.s32 $0xC000  }
0x25c: {  	[tilespmem:s26], [sflag:$0x1] =	stream.indirect_vreg.gather [hbm4b:s6+s3], $0x80, v3, vm0, $0xb8;
	[tilespmem:$0x18800] =	vst v63  }
0x25d: {  	s22 =	rddreg [dreg:$0x9];
	s23 =	simm.s32 $0xC800  }
0x25e: {  	[hbm4b:s22+s3] =	stream.linear.scatter [tilespmem:s23], [sflag:$0x2], $0xC000, $0x38;
	[tilespmem:$0x18800] =	vst v63  }
0x25f: {  	_ =	swait.ge [sflag:s4], $0xC000  }
0x260: {  	[sflag:s4] =	ssyncset.done $0x0  }
0x261: {  	[sflag:s4] =	ssyncadd.s32 $0xFFFF4000  }
0x262: {  	_ =	swait.ge [sflag:s10], $0xC000  }
0x263: {  	[sflag:s10] =	ssyncset.done $0x0  }
0x264: {  	[sflag:s10] =	ssyncadd.s32 $0xFFFF4000  }
0x265: {  	v3 =	vld [tilespmem:$0x380];
	_ =	sdelay $0x4  }
0x266: {  	v28 =	vshrl.u32 v3, $0x3  }
0x267: {  	v4 =	vmul.u32 $0x30, v28  }
0x268: {  	v3 =	vand.u32 $0x7, v3  }
0x269: {  	v3 =	vor.u32 v3, v4  }
0x26a: {  	v4 =	vperm.xlane v3, v0;
	_ =	sdelay $0x1  }
0x26b: {  	v4 =	vadd.s32 v1, v4;
	_ =	sdelay $0x3  }
0x26c: {  	v3 =	vperm.xlane v3, v2  }
0x26d: {  	[tilespmem:s23], [sflag:$0x1] =	stream.indirect_vreg.gather [hbm4b:s2+s3], $0x80, v4, vm0, $0xb8;
	[tilespmem:$0x18800] =	vst v63  }
0x26e: {  	s8 =	simm.s32 $0xD000;
	v3 =	vadd.s32 v1, v3  }
0x26f: {  	[tilespmem:s8], [sflag:$0x1] =	stream.indirect_vreg.gather [hbm4b:s5+s3], $0x80, v4, vm0, $0xb8;
	[tilespmem:$0x18800] =	vst v63  }
0x270: {  	s17 =	simm.s32 $0xD800  }
0x271: {  	[tilespmem:s17], [sflag:$0x1] =	stream.indirect_vreg.gather [hbm4b:s6+s3], $0x80, v4, vm0, $0xb8;
	[tilespmem:$0x18800] =	vst v63  }
0x272: {  	s18 =	simm.s32 $0xE000  }
0x273: {  	[tilespmem:s18], [sflag:$0x1] =	stream.indirect_vreg.gather [hbm4b:s2+s3], $0x80, v3, vm0, $0xb8;
	[tilespmem:$0x18800] =	vst v63  }
0x274: {  	s19 =	simm.s32 $0xE800  }
0x275: {  	[tilespmem:s19], [sflag:$0x1] =	stream.indirect_vreg.gather [hbm4b:s5+s3], $0x80, v3, vm0, $0xb8;
	[tilespmem:$0x18800] =	vst v63  }
0x276: {  	_ = 	snop  }
0x277: {  	[tilespmem:s9], [sflag:$0x1] =	stream.indirect_vreg.gather [hbm4b:s6+s3], $0x80, v3, vm0, $0xb8;
	[tilespmem:$0x18800] =	vst v63  }
0x278: {  	v3 =	vld [tilespmem:$0x390];
	_ =	sdelay $0x4  }
0x279: {  	v29 =	vshrl.u32 v3, $0x3  }
0x27a: {  	v4 =	vmul.u32 $0x30, v29  }
0x27b: {  	v3 =	vand.u32 $0x7, v3  }
0x27c: {  	v3 =	vor.u32 v3, v4  }
0x27d: {  	v4 =	vperm.xlane v3, v0;
	_ =	sdelay $0x1  }
0x27e: {  	v4 =	vadd.s32 v1, v4;
	_ =	sdelay $0x3  }
0x27f: {  	v3 =	vperm.xlane v3, v2  }
0x280: {  	[tilespmem:s12], [sflag:$0x1] =	stream.indirect_vreg.gather [hbm4b:s2+s3], $0x80, v4, vm0, $0xb8;
	[tilespmem:$0x18800] =	vst v63  }
0x281: {  	s25 =	simm.s32 $0x10000;
	v3 =	vadd.s32 v1, v3  }
0x282: {  	[tilespmem:s25], [sflag:$0x1] =	stream.indirect_vreg.gather [hbm4b:s5+s3], $0x80, v4, vm0, $0xb8;
	[tilespmem:$0x18800] =	vst v63  }
0x283: {  	s12 =	simm.s32 $0x10800  }
0x284: {  	[tilespmem:s12], [sflag:$0x1] =	stream.indirect_vreg.gather [hbm4b:s6+s3], $0x80, v4, vm0, $0xb8;
	[tilespmem:$0x18800] =	vst v63  }
0x285: {  	s20 =	simm.s32 $0x11000  }
0x286: {  	[tilespmem:s20], [sflag:$0x1] =	stream.indirect_vreg.gather [hbm4b:s2+s3], $0x80, v3, vm0, $0xb8;
	[tilespmem:$0x18800] =	vst v63  }
0x287: {  	s21 =	simm.s32 $0x11800  }
0x288: {  	[tilespmem:s21], [sflag:$0x1] =	stream.indirect_vreg.gather [hbm4b:s5+s3], $0x80, v3, vm0, $0xb8;
	[tilespmem:$0x18800] =	vst v63  }
0x289: {  	_ = 	snop  }
0x28a: {  	[tilespmem:s13], [sflag:$0x1] =	stream.indirect_vreg.gather [hbm4b:s6+s3], $0x80, v3, vm0, $0xb8;
	[tilespmem:$0x18800] =	vst v63  }
0x28b: {  	v3 =	vld [tilespmem:$0x3A0];
	_ =	sdelay $0x4  }
0x28c: {  	v30 =	vshrl.u32 v3, $0x3  }
0x28d: {  	v4 =	vmul.u32 $0x30, v30  }
0x28e: {  	v3 =	vand.u32 $0x7, v3  }
0x28f: {  	v3 =	vor.u32 v3, v4  }
0x290: {  	v4 =	vperm.xlane v3, v0;
	_ =	sdelay $0x1  }
0x291: {  	v4 =	vadd.s32 v1, v4;
	_ =	sdelay $0x3  }
0x292: {  	v3 =	vperm.xlane v3, v2  }
0x293: {  	[tilespmem:s14], [sflag:$0x1] =	stream.indirect_vreg.gather [hbm4b:s2+s3], $0x80, v4, vm0, $0xb8;
	[tilespmem:$0x18800] =	vst v63  }
0x294: {  	s13 =	simm.s32 $0x13000;
	v3 =	vadd.s32 v1, v3  }
0x295: {  	[tilespmem:s13], [sflag:$0x1] =	stream.indirect_vreg.gather [hbm4b:s5+s3], $0x80, v4, vm0, $0xb8;
	[tilespmem:$0x18800] =	vst v63  }
0x296: {  	s14 =	simm.s32 $0x13800  }
0x297: {  	[tilespmem:s14], [sflag:$0x1] =	stream.indirect_vreg.gather [hbm4b:s6+s3], $0x80, v4, vm0, $0xb8;
	[tilespmem:$0x18800] =	vst v63  }
0x298: {  	s22 =	simm.s32 $0x14000  }
0x299: {  	[tilespmem:s22], [sflag:$0x1] =	stream.indirect_vreg.gather [hbm4b:s2+s3], $0x80, v3, vm0, $0xb8;
	[tilespmem:$0x18800] =	vst v63  }
0x29a: {  	s23 =	simm.s32 $0x14800  }
0x29b: {  	[tilespmem:s23], [sflag:$0x1] =	stream.indirect_vreg.gather [hbm4b:s5+s3], $0x80, v3, vm0, $0xb8;
	[tilespmem:$0x18800] =	vst v63  }
0x29c: {  	_ = 	snop  }
0x29d: {  	[tilespmem:s15], [sflag:$0x1] =	stream.indirect_vreg.gather [hbm4b:s6+s3], $0x80, v3, vm0, $0xb8;
	[tilespmem:$0x18800] =	vst v63  }
0x29e: {  	v3 =	vld [tilespmem:$0x3B0];
	_ =	sdelay $0x4  }
0x29f: {  	v31 =	vshrl.u32 v3, $0x3  }
0x2a0: {  	v4 =	vmul.u32 $0x30, v31  }
0x2a1: {  	v3 =	vand.u32 $0x7, v3  }
0x2a2: {  	v3 =	vor.u32 v3, v4  }
0x2a3: {  	v4 =	vperm.xlane v3, v0;
	_ =	sdelay $0x1  }
0x2a4: {  	v4 =	vadd.s32 v1, v4;
	_ =	sdelay $0x3  }
0x2a5: {  	v3 =	vperm.xlane v3, v2  }
0x2a6: {  	[tilespmem:s16], [sflag:$0x1] =	stream.indirect_vreg.gather [hbm4b:s2+s3], $0x80, v4, vm0, $0xb8;
	[tilespmem:$0x18800] =	vst v63  }
0x2a7: {  	s15 =	simm.s32 $0x16000;
	v3 =	vadd.s32 v1, v3  }
0x2a8: {  	[tilespmem:s15], [sflag:$0x1] =	stream.indirect_vreg.gather [hbm4b:s5+s3], $0x80, v4, vm0, $0xb8;
	[tilespmem:$0x18800] =	vst v63  }
0x2a9: {  	s16 =	simm.s32 $0x16800  }
0x2aa: {  	[tilespmem:s16], [sflag:$0x1] =	stream.indirect_vreg.gather [hbm4b:s6+s3], $0x80, v4, vm0, $0xb8;
	[tilespmem:$0x18800] =	vst v63  }
0x2ab: {  	s25 =	simm.s32 $0x17000  }
0x2ac: {  	[tilespmem:s25], [sflag:$0x1] =	stream.indirect_vreg.gather [hbm4b:s2+s3], $0x80, v3, vm0, $0xb8;
	[tilespmem:$0x18800] =	vst v63  }
0x2ad: {  	_ = 	snop  }
0x2ae: {  	[tilespmem:s7], [sflag:$0x1] =	stream.indirect_vreg.gather [hbm4b:s5+s3], $0x80, v3, vm0, $0xb8;
	[tilespmem:$0x18800] =	vst v63  }
0x2af: {  	_ = 	snop  }
0x2b0: {  	[tilespmem:s1], [sflag:$0x1] =	stream.indirect_vreg.gather [hbm4b:s6+s3], $0x80, v3, vm0, $0xb8;
	[tilespmem:$0x18800] =	vst v63  }
0x2b1: {  	s9 =	simm.s32 $0x800;
	s7 =	rddreg [dreg:$0xa]  }
0x2b2: {  	[hbm4b:s7+s3] =	stream.linear.scatter [tilespmem:s9], [sflag:$0x2], $0xC000, $0x38;
	[tilespmem:$0x18800] =	vst v63  }
0x2b3: {  	_ =	swait.ge [sflag:s4], $0xC000  }
0x2b4: {  	[sflag:s4] =	ssyncset.done $0x0  }
0x2b5: {  	[sflag:s4] =	ssyncadd.s32 $0xFFFF4000  }
0x2b6: {  	_ =	swait.ge [sflag:s10], $0xC000  }
0x2b7: {  	[sflag:s10] =	ssyncset.done $0x0  }
0x2b8: {  	[sflag:s10] =	ssyncadd.s32 $0xFFFF4000  }
0x2b9: {  	v3 =	vld [tilespmem:$0x400];
	_ =	sdelay $0x4  }
0x2ba: {  	v32 =	vshrl.u32 v3, $0x3  }
0x2bb: {  	v4 =	vmul.u32 $0x30, v32  }
0x2bc: {  	v3 =	vand.u32 $0x7, v3  }
0x2bd: {  	v3 =	vor.u32 v3, v4  }
0x2be: {  	v4 =	vperm.xlane v3, v0;
	_ =	sdelay $0x1  }
0x2bf: {  	v4 =	vadd.s32 v1, v4;
	_ =	sdelay $0x3  }
0x2c0: {  	v3 =	vperm.xlane v3, v2  }
0x2c1: {  	[tilespmem:s9], [sflag:$0x1] =	stream.indirect_vreg.gather [hbm4b:s2+s3], $0x80, v4, vm0, $0xb8;
	[tilespmem:$0x18800] =	vst v63  }
0x2c2: {  	s11 =	simm.s32 $0x1000;
	v3 =	vadd.s32 v1, v3  }
0x2c3: {  	[tilespmem:s11], [sflag:$0x1] =	stream.indirect_vreg.gather [hbm4b:s5+s3], $0x80, v4, vm0, $0xb8;
	[tilespmem:$0x18800] =	vst v63  }
0x2c4: {  	s7 =	simm.s32 $0x1800  }
0x2c5: {  	[tilespmem:s7], [sflag:$0x1] =	stream.indirect_vreg.gather [hbm4b:s6+s3], $0x80, v4, vm0, $0xb8;
	[tilespmem:$0x18800] =	vst v63  }
0x2c6: {  	s9 =	simm.s32 $0x2000  }
0x2c7: {  	[tilespmem:s9], [sflag:$0x1] =	stream.indirect_vreg.gather [hbm4b:s2+s3], $0x80, v3, vm0, $0xb8;
	[tilespmem:$0x18800] =	vst v63  }
0x2c8: {  	s11 =	simm.s32 $0x2800  }
0x2c9: {  	[tilespmem:s11], [sflag:$0x1] =	stream.indirect_vreg.gather [hbm4b:s5+s3], $0x80, v3, vm0, $0xb8;
	[tilespmem:$0x18800] =	vst v63  }
0x2ca: {  	s7 =	simm.s32 $0x3000  }
0x2cb: {  	[tilespmem:s7], [sflag:$0x1] =	stream.indirect_vreg.gather [hbm4b:s6+s3], $0x80, v3, vm0, $0xb8;
	[tilespmem:$0x18800] =	vst v63  }
0x2cc: {  	v3 =	vld [tilespmem:$0x410];
	_ =	sdelay $0x4  }
0x2cd: {  	v33 =	vshrl.u32 v3, $0x3  }
0x2ce: {  	v4 =	vmul.u32 $0x30, v33  }
0x2cf: {  	v3 =	vand.u32 $0x7, v3  }
0x2d0: {  	v3 =	vor.u32 v3, v4  }
0x2d1: {  	v4 =	vperm.xlane v3, v0;
	_ =	sdelay $0x1  }
0x2d2: {  	v4 =	vadd.s32 v1, v4;
	_ =	sdelay $0x3  }
0x2d3: {  	s9 =	simm.s32 $0x3800;
	v3 =	vperm.xlane v3, v2  }
0x2d4: {  	[tilespmem:s9], [sflag:$0x1] =	stream.indirect_vreg.gather [hbm4b:s2+s3], $0x80, v4, vm0, $0xb8;
	[tilespmem:$0x18800] =	vst v63  }
0x2d5: {  	s11 =	simm.s32 $0x4000;
	v3 =	vadd.s32 v1, v3  }
0x2d6: {  	[tilespmem:s11], [sflag:$0x1] =	stream.indirect_vreg.gather [hbm4b:s5+s3], $0x80, v4, vm0, $0xb8;
	[tilespmem:$0x18800] =	vst v63  }
0x2d7: {  	s7 =	simm.s32 $0x4800  }
0x2d8: {  	[tilespmem:s7], [sflag:$0x1] =	stream.indirect_vreg.gather [hbm4b:s6+s3], $0x80, v4, vm0, $0xb8;
	[tilespmem:$0x18800] =	vst v63  }
0x2d9: {  	s9 =	simm.s32 $0x5000  }
0x2da: {  	[tilespmem:s9], [sflag:$0x1] =	stream.indirect_vreg.gather [hbm4b:s2+s3], $0x80, v3, vm0, $0xb8;
	[tilespmem:$0x18800] =	vst v63  }
0x2db: {  	s11 =	simm.s32 $0x5800  }
0x2dc: {  	[tilespmem:s11], [sflag:$0x1] =	stream.indirect_vreg.gather [hbm4b:s5+s3], $0x80, v3, vm0, $0xb8;
	[tilespmem:$0x18800] =	vst v63  }
0x2dd: {  	s7 =	simm.s32 $0x6000  }
0x2de: {  	[tilespmem:s7], [sflag:$0x1] =	stream.indirect_vreg.gather [hbm4b:s6+s3], $0x80, v3, vm0, $0xb8;
	[tilespmem:$0x18800] =	vst v63  }
0x2df: {  	v3 =	vld [tilespmem:$0x420];
	_ =	sdelay $0x4  }
0x2e0: {  	v34 =	vshrl.u32 v3, $0x3  }
0x2e1: {  	v4 =	vmul.u32 $0x30, v34  }
0x2e2: {  	v3 =	vand.u32 $0x7, v3  }
0x2e3: {  	v3 =	vor.u32 v3, v4  }
0x2e4: {  	v4 =	vperm.xlane v3, v0;
	_ =	sdelay $0x1  }
0x2e5: {  	v4 =	vadd.s32 v1, v4;
	_ =	sdelay $0x3  }
0x2e6: {  	v3 =	vperm.xlane v3, v2  }
0x2e7: {  	[tilespmem:s31], [sflag:$0x1] =	stream.indirect_vreg.gather [hbm4b:s2+s3], $0x80, v4, vm0, $0xb8;
	[tilespmem:$0x18800] =	vst v63  }
0x2e8: {  	v3 =	vadd.s32 v1, v3  }
0x2e9: {  	[tilespmem:s28], [sflag:$0x1] =	stream.indirect_vreg.gather [hbm4b:s5+s3], $0x80, v4, vm0, $0xb8;
	[tilespmem:$0x18800] =	vst v63  }
0x2ea: {  	_ = 	snop  }
0x2eb: {  	[tilespmem:s29], [sflag:$0x1] =	stream.indirect_vreg.gather [hbm4b:s6+s3], $0x80, v4, vm0, $0xb8;
	[tilespmem:$0x18800] =	vst v63  }
0x2ec: {  	_ = 	snop  }
0x2ed: {  	[tilespmem:s30], [sflag:$0x1] =	stream.indirect_vreg.gather [hbm4b:s2+s3], $0x80, v3, vm0, $0xb8;
	[tilespmem:$0x18800] =	vst v63  }
0x2ee: {  	s9 =	simm.s32 $0x8800  }
0x2ef: {  	[tilespmem:s9], [sflag:$0x1] =	stream.indirect_vreg.gather [hbm4b:s5+s3], $0x80, v3, vm0, $0xb8;
	[tilespmem:$0x18800] =	vst v63  }
0x2f0: {  	s31 =	simm.s32 $0x9000  }
0x2f1: {  	[tilespmem:s31], [sflag:$0x1] =	stream.indirect_vreg.gather [hbm4b:s6+s3], $0x80, v3, vm0, $0xb8;
	[tilespmem:$0x18800] =	vst v63  }
0x2f2: {  	v3 =	vld [tilespmem:$0x430];
	_ =	sdelay $0x4  }
0x2f3: {  	v35 =	vshrl.u32 v3, $0x3  }
0x2f4: {  	v4 =	vmul.u32 $0x30, v35  }
0x2f5: {  	v3 =	vand.u32 $0x7, v3  }
0x2f6: {  	v3 =	vor.u32 v3, v4  }
0x2f7: {  	v4 =	vperm.xlane v3, v0;
	_ =	sdelay $0x1  }
0x2f8: {  	v4 =	vadd.s32 v1, v4;
	_ =	sdelay $0x3  }
0x2f9: {  	s28 =	simm.s32 $0x9800;
	v3 =	vperm.xlane v3, v2  }
0x2fa: {  	[tilespmem:s28], [sflag:$0x1] =	stream.indirect_vreg.gather [hbm4b:s2+s3], $0x80, v4, vm0, $0xb8;
	[tilespmem:$0x18800] =	vst v63  }
0x2fb: {  	v3 =	vadd.s32 v1, v3  }
0x2fc: {  	[tilespmem:s24], [sflag:$0x1] =	stream.indirect_vreg.gather [hbm4b:s5+s3], $0x80, v4, vm0, $0xb8;
	[tilespmem:$0x18800] =	vst v63  }
0x2fd: {  	s11 =	simm.s32 $0xA800  }
0x2fe: {  	[tilespmem:s11], [sflag:$0x1] =	stream.indirect_vreg.gather [hbm4b:s6+s3], $0x80, v4, vm0, $0xb8;
	[tilespmem:$0x18800] =	vst v63  }
0x2ff: {  	s24 =	simm.s32 $0xB000  }
0x300: {  	[tilespmem:s24], [sflag:$0x1] =	stream.indirect_vreg.gather [hbm4b:s2+s3], $0x80, v3, vm0, $0xb8;
	[tilespmem:$0x18800] =	vst v63  }
0x301: {  	_ = 	snop  }
0x302: {  	[tilespmem:s0], [sflag:$0x1] =	stream.indirect_vreg.gather [hbm4b:s5+s3], $0x80, v3, vm0, $0xb8;
	[tilespmem:$0x18800] =	vst v63  }
0x303: {  	_ = 	snop  }
0x304: {  	[tilespmem:s26], [sflag:$0x1] =	stream.indirect_vreg.gather [hbm4b:s6+s3], $0x80, v3, vm0, $0xb8;
	[tilespmem:$0x18800] =	vst v63  }
0x305: {  	s7 =	rddreg [dreg:$0xb];
	s9 =	simm.s32 $0xC800  }
0x306: {  	[hbm4b:s7+s3] =	stream.linear.scatter [tilespmem:s9], [sflag:$0x2], $0xC000, $0x38;
	[tilespmem:$0x18800] =	vst v63  }
0x307: {  	_ =	swait.ge [sflag:s4], $0xC000  }
0x308: {  	[sflag:s4] =	ssyncset.done $0x0  }
0x309: {  	[sflag:s4] =	ssyncadd.s32 $0xFFFF4000  }
0x30a: {  	_ =	swait.ge [sflag:s10], $0xC000  }
0x30b: {  	[sflag:s10] =	ssyncset.done $0x0  }
0x30c: {  	[sflag:s10] =	ssyncadd.s32 $0xFFFF4000  }
0x30d: {  	v3 =	vld [tilespmem:$0x480];
	_ =	sdelay $0x4  }
0x30e: {  	v36 =	vshrl.u32 v3, $0x3  }
0x30f: {  	v4 =	vmul.u32 $0x30, v36  }
0x310: {  	v3 =	vand.u32 $0x7, v3  }
0x311: {  	v3 =	vor.u32 v3, v4  }
0x312: {  	v4 =	vperm.xlane v3, v0;
	_ =	sdelay $0x1  }
0x313: {  	v4 =	vadd.s32 v1, v4;
	_ =	sdelay $0x3  }
0x314: {  	v3 =	vperm.xlane v3, v2  }
0x315: {  	[tilespmem:s9], [sflag:$0x1] =	stream.indirect_vreg.gather [hbm4b:s2+s3], $0x80, v4, vm0, $0xb8;
	[tilespmem:$0x18800] =	vst v63  }
0x316: {  	v3 =	vadd.s32 v1, v3  }
0x317: {  	[tilespmem:s8], [sflag:$0x1] =	stream.indirect_vreg.gather [hbm4b:s5+s3], $0x80, v4, vm0, $0xb8;
	[tilespmem:$0x18800] =	vst v63  }
0x318: {  	_ = 	snop  }
0x319: {  	[tilespmem:s17], [sflag:$0x1] =	stream.indirect_vreg.gather [hbm4b:s6+s3], $0x80, v4, vm0, $0xb8;
	[tilespmem:$0x18800] =	vst v63  }
0x31a: {  	_ = 	snop  }
0x31b: {  	[tilespmem:s18], [sflag:$0x1] =	stream.indirect_vreg.gather [hbm4b:s2+s3], $0x80, v3, vm0, $0xb8;
	[tilespmem:$0x18800] =	vst v63  }
0x31c: {  	_ = 	snop  }
0x31d: {  	[tilespmem:s19], [sflag:$0x1] =	stream.indirect_vreg.gather [hbm4b:s5+s3], $0x80, v3, vm0, $0xb8;
	[tilespmem:$0x18800] =	vst v63  }
0x31e: {  	s9 =	simm.s32 $0xF000  }
0x31f: {  	[tilespmem:s9], [sflag:$0x1] =	stream.indirect_vreg.gather [hbm4b:s6+s3], $0x80, v3, vm0, $0xb8;
	[tilespmem:$0x18800] =	vst v63  }
0x320: {  	v3 =	vld [tilespmem:$0x490];
	_ =	sdelay $0x4  }
0x321: {  	v37 =	vshrl.u32 v3, $0x3  }
0x322: {  	v4 =	vmul.u32 $0x30, v37  }
0x323: {  	v3 =	vand.u32 $0x7, v3  }
0x324: {  	v3 =	vor.u32 v3, v4  }
0x325: {  	v4 =	vperm.xlane v3, v0;
	_ =	sdelay $0x1  }
0x326: {  	v4 =	vadd.s32 v1, v4;
	_ =	sdelay $0x3  }
0x327: {  	s17 =	simm.s32 $0xF800;
	v3 =	vperm.xlane v3, v2  }
0x328: {  	[tilespmem:s17], [sflag:$0x1] =	stream.indirect_vreg.gather [hbm4b:s2+s3], $0x80, v4, vm0, $0xb8;
	[tilespmem:$0x18800] =	vst v63  }
0x329: {  	s19 =	simm.s32 $0x10000;
	v3 =	vadd.s32 v1, v3  }
0x32a: {  	[tilespmem:s19], [sflag:$0x1] =	stream.indirect_vreg.gather [hbm4b:s5+s3], $0x80, v4, vm0, $0xb8;
	[tilespmem:$0x18800] =	vst v63  }
0x32b: {  	_ = 	snop  }
0x32c: {  	[tilespmem:s12], [sflag:$0x1] =	stream.indirect_vreg.gather [hbm4b:s6+s3], $0x80, v4, vm0, $0xb8;
	[tilespmem:$0x18800] =	vst v63  }
0x32d: {  	_ = 	snop  }
0x32e: {  	[tilespmem:s20], [sflag:$0x1] =	stream.indirect_vreg.gather [hbm4b:s2+s3], $0x80, v3, vm0, $0xb8;
	[tilespmem:$0x18800] =	vst v63  }
0x32f: {  	_ = 	snop  }
0x330: {  	[tilespmem:s21], [sflag:$0x1] =	stream.indirect_vreg.gather [hbm4b:s5+s3], $0x80, v3, vm0, $0xb8;
	[tilespmem:$0x18800] =	vst v63  }
0x331: {  	s1 =	simm.s32 $0x12000  }
0x332: {  	[tilespmem:s1], [sflag:$0x1] =	stream.indirect_vreg.gather [hbm4b:s6+s3], $0x80, v3, vm0, $0xb8;
	[tilespmem:$0x18800] =	vst v63  }
0x333: {  	v3 =	vld [tilespmem:$0x4A0];
	_ =	sdelay $0x4  }
0x334: {  	v38 =	vshrl.u32 v3, $0x3  }
0x335: {  	v4 =	vmul.u32 $0x30, v38  }
0x336: {  	v3 =	vand.u32 $0x7, v3  }
0x337: {  	v3 =	vor.u32 v3, v4  }
0x338: {  	v4 =	vperm.xlane v3, v0;
	_ =	sdelay $0x1  }
0x339: {  	v4 =	vadd.s32 v1, v4;
	_ =	sdelay $0x3  }
0x33a: {  	s20 =	simm.s32 $0x12800;
	v3 =	vperm.xlane v3, v2  }
0x33b: {  	[tilespmem:s20], [sflag:$0x1] =	stream.indirect_vreg.gather [hbm4b:s2+s3], $0x80, v4, vm0, $0xb8;
	[tilespmem:$0x18800] =	vst v63  }
0x33c: {  	v3 =	vadd.s32 v1, v3  }
0x33d: {  	[tilespmem:s13], [sflag:$0x1] =	stream.indirect_vreg.gather [hbm4b:s5+s3], $0x80, v4, vm0, $0xb8;
	[tilespmem:$0x18800] =	vst v63  }
0x33e: {  	_ = 	snop  }
0x33f: {  	[tilespmem:s14], [sflag:$0x1] =	stream.indirect_vreg.gather [hbm4b:s6+s3], $0x80, v4, vm0, $0xb8;
	[tilespmem:$0x18800] =	vst v63  }
0x340: {  	_ = 	snop  }
0x341: {  	[tilespmem:s22], [sflag:$0x1] =	stream.indirect_vreg.gather [hbm4b:s2+s3], $0x80, v3, vm0, $0xb8;
	[tilespmem:$0x18800] =	vst v63  }
0x342: {  	_ = 	snop  }
0x343: {  	[tilespmem:s23], [sflag:$0x1] =	stream.indirect_vreg.gather [hbm4b:s5+s3], $0x80, v3, vm0, $0xb8;
	[tilespmem:$0x18800] =	vst v63  }
0x344: {  	s7 =	simm.s32 $0x15000  }
0x345: {  	[tilespmem:s7], [sflag:$0x1] =	stream.indirect_vreg.gather [hbm4b:s6+s3], $0x80, v3, vm0, $0xb8;
	[tilespmem:$0x18800] =	vst v63  }
0x346: {  	v3 =	vld [tilespmem:$0x4B0];
	_ =	sdelay $0x4  }
0x347: {  	v39 =	vshrl.u32 v3, $0x3  }
0x348: {  	v4 =	vmul.u32 $0x30, v39  }
0x349: {  	v3 =	vand.u32 $0x7, v3  }
0x34a: {  	v3 =	vor.u32 v3, v4  }
0x34b: {  	v4 =	vperm.xlane v3, v0;
	_ =	sdelay $0x1  }
0x34c: {  	v4 =	vadd.s32 v1, v4;
	_ =	sdelay $0x3  }
0x34d: {  	s13 =	simm.s32 $0x15800;
	v3 =	vperm.xlane v3, v2  }
0x34e: {  	[tilespmem:s13], [sflag:$0x1] =	stream.indirect_vreg.gather [hbm4b:s2+s3], $0x80, v4, vm0, $0xb8;
	[tilespmem:$0x18800] =	vst v63  }
0x34f: {  	v3 =	vadd.s32 v1, v3  }
0x350: {  	[tilespmem:s15], [sflag:$0x1] =	stream.indirect_vreg.gather [hbm4b:s5+s3], $0x80, v4, vm0, $0xb8;
	[tilespmem:$0x18800] =	vst v63  }
0x351: {  	_ = 	snop  }
0x352: {  	[tilespmem:s16], [sflag:$0x1] =	stream.indirect_vreg.gather [hbm4b:s6+s3], $0x80, v4, vm0, $0xb8;
	[tilespmem:$0x18800] =	vst v63  }
0x353: {  	_ = 	snop  }
0x354: {  	[tilespmem:s25], [sflag:$0x1] =	stream.indirect_vreg.gather [hbm4b:s2+s3], $0x80, v3, vm0, $0xb8;
	[tilespmem:$0x18800] =	vst v63  }
0x355: {  	s8 =	simm.s32 $0x17800  }
0x356: {  	[tilespmem:s8], [sflag:$0x1] =	stream.indirect_vreg.gather [hbm4b:s5+s3], $0x80, v3, vm0, $0xb8;
	[tilespmem:$0x18800] =	vst v63  }
0x357: {  	s12 =	simm.s32 $0x18000  }
0x358: {  	[tilespmem:s12], [sflag:$0x1] =	stream.indirect_vreg.gather [hbm4b:s6+s3], $0x80, v3, vm0, $0xb8;
	[tilespmem:$0x18800] =	vst v63  }
0x359: {  	s21 =	rddreg [dreg:$0xc];
	s22 =	simm.s32 $0x800  }
0x35a: {  	[hbm4b:s21+s3] =	stream.linear.scatter [tilespmem:s22], [sflag:$0x2], $0xC000, $0x38;
	[tilespmem:$0x18800] =	vst v63  }
0x35b: {  	_ =	swait.ge [sflag:s4], $0xC000  }
0x35c: {  	[sflag:s4] =	ssyncset.done $0x0  }
0x35d: {  	[sflag:s4] =	ssyncadd.s32 $0xFFFF4000  }
0x35e: {  	_ =	swait.ge [sflag:s10], $0xC000  }
0x35f: {  	[sflag:s10] =	ssyncset.done $0x0  }
0x360: {  	[sflag:s10] =	ssyncadd.s32 $0xFFFF4000  }
0x361: {  	v3 =	vld [tilespmem:$0x500];
	_ =	sdelay $0x4  }
0x362: {  	v40 =	vshrl.u32 v3, $0x3  }
0x363: {  	v4 =	vmul.u32 $0x30, v40  }
0x364: {  	v3 =	vand.u32 $0x7, v3  }
0x365: {  	v3 =	vor.u32 v3, v4  }
0x366: {  	v4 =	vperm.xlane v3, v0;
	_ =	sdelay $0x1  }
0x367: {  	v4 =	vadd.s32 v1, v4;
	_ =	sdelay $0x3  }
0x368: {  	v3 =	vperm.xlane v3, v2  }
0x369: {  	[tilespmem:s22], [sflag:$0x1] =	stream.indirect_vreg.gather [hbm4b:s2+s3], $0x80, v4, vm0, $0xb8;
	[tilespmem:$0x18800] =	vst v63  }
0x36a: {  	s14 =	simm.s32 $0x1000;
	v3 =	vadd.s32 v1, v3  }
0x36b: {  	[tilespmem:s14], [sflag:$0x1] =	stream.indirect_vreg.gather [hbm4b:s5+s3], $0x80, v4, vm0, $0xb8;
	[tilespmem:$0x18800] =	vst v63  }
0x36c: {  	s15 =	simm.s32 $0x1800  }
0x36d: {  	[tilespmem:s15], [sflag:$0x1] =	stream.indirect_vreg.gather [hbm4b:s6+s3], $0x80, v4, vm0, $0xb8;
	[tilespmem:$0x18800] =	vst v63  }
0x36e: {  	s16 =	simm.s32 $0x2000  }
0x36f: {  	[tilespmem:s16], [sflag:$0x1] =	stream.indirect_vreg.gather [hbm4b:s2+s3], $0x80, v3, vm0, $0xb8;
	[tilespmem:$0x18800] =	vst v63  }
0x370: {  	s18 =	simm.s32 $0x2800  }
0x371: {  	[tilespmem:s18], [sflag:$0x1] =	stream.indirect_vreg.gather [hbm4b:s5+s3], $0x80, v3, vm0, $0xb8;
	[tilespmem:$0x18800] =	vst v63  }
0x372: {  	s24 =	simm.s32 $0x3000  }
0x373: {  	[tilespmem:s24], [sflag:$0x1] =	stream.indirect_vreg.gather [hbm4b:s6+s3], $0x80, v3, vm0, $0xb8;
	[tilespmem:$0x18800] =	vst v63  }
0x374: {  	v3 =	vld [tilespmem:$0x510];
	_ =	sdelay $0x4  }
0x375: {  	v41 =	vshrl.u32 v3, $0x3  }
0x376: {  	v4 =	vmul.u32 $0x30, v41  }
0x377: {  	v3 =	vand.u32 $0x7, v3  }
0x378: {  	v3 =	vor.u32 v3, v4  }
0x379: {  	v4 =	vperm.xlane v3, v0;
	_ =	sdelay $0x1  }
0x37a: {  	v4 =	vadd.s32 v1, v4;
	_ =	sdelay $0x3  }
0x37b: {  	s25 =	simm.s32 $0x3800;
	v3 =	vperm.xlane v3, v2  }
0x37c: {  	[tilespmem:s25], [sflag:$0x1] =	stream.indirect_vreg.gather [hbm4b:s2+s3], $0x80, v4, vm0, $0xb8;
	[tilespmem:$0x18800] =	vst v63  }
0x37d: {  	s19 =	simm.s32 $0x4000;
	v3 =	vadd.s32 v1, v3  }
0x37e: {  	[tilespmem:s19], [sflag:$0x1] =	stream.indirect_vreg.gather [hbm4b:s5+s3], $0x80, v4, vm0, $0xb8;
	[tilespmem:$0x18800] =	vst v63  }
0x37f: {  	s20 =	simm.s32 $0x4800  }
0x380: {  	[tilespmem:s20], [sflag:$0x1] =	stream.indirect_vreg.gather [hbm4b:s6+s3], $0x80, v4, vm0, $0xb8;
	[tilespmem:$0x18800] =	vst v63  }
0x381: {  	s21 =	simm.s32 $0x5000  }
0x382: {  	[tilespmem:s21], [sflag:$0x1] =	stream.indirect_vreg.gather [hbm4b:s2+s3], $0x80, v3, vm0, $0xb8;
	[tilespmem:$0x18800] =	vst v63  }
0x383: {  	s22 =	simm.s32 $0x5800  }
0x384: {  	[tilespmem:s22], [sflag:$0x1] =	stream.indirect_vreg.gather [hbm4b:s5+s3], $0x80, v3, vm0, $0xb8;
	[tilespmem:$0x18800] =	vst v63  }
0x385: {  	s26 =	simm.s32 $0x6000  }
0x386: {  	[tilespmem:s26], [sflag:$0x1] =	stream.indirect_vreg.gather [hbm4b:s6+s3], $0x80, v3, vm0, $0xb8;
	[tilespmem:$0x18800] =	vst v63  }
0x387: {  	v3 =	vld [tilespmem:$0x520];
	_ =	sdelay $0x4  }
0x388: {  	v42 =	vshrl.u32 v3, $0x3  }
0x389: {  	v4 =	vmul.u32 $0x30, v42  }
0x38a: {  	v3 =	vand.u32 $0x7, v3  }
0x38b: {  	v3 =	vor.u32 v3, v4  }
0x38c: {  	v4 =	vperm.xlane v3, v0;
	_ =	sdelay $0x1  }
0x38d: {  	v4 =	vadd.s32 v1, v4;
	_ =	sdelay $0x3  }
0x38e: {  	s23 =	simm.s32 $0x6800;
	v3 =	vperm.xlane v3, v2  }
0x38f: {  	[tilespmem:s23], [sflag:$0x1] =	stream.indirect_vreg.gather [hbm4b:s2+s3], $0x80, v4, vm0, $0xb8;
	[tilespmem:$0x18800] =	vst v63  }
0x390: {  	v3 =	vadd.s32 v1, v3;
	s23 =	simm.s32 $0x7000  }
0x391: {  	[tilespmem:s23], [sflag:$0x1] =	stream.indirect_vreg.gather [hbm4b:s5+s3], $0x80, v4, vm0, $0xb8;
	[tilespmem:$0x18800] =	vst v63  }
0x392: {  	s23 =	simm.s32 $0x7800  }
0x393: {  	[tilespmem:s23], [sflag:$0x1] =	stream.indirect_vreg.gather [hbm4b:s6+s3], $0x80, v4, vm0, $0xb8;
	[tilespmem:$0x18800] =	vst v63  }
0x394: {  	s30 =	simm.s32 $0x8000  }
0x395: {  	[tilespmem:s30], [sflag:$0x1] =	stream.indirect_vreg.gather [hbm4b:s2+s3], $0x80, v3, vm0, $0xb8;
	[tilespmem:$0x18800] =	vst v63  }
0x396: {  	s23 =	simm.s32 $0x8800  }
0x397: {  	[tilespmem:s23], [sflag:$0x1] =	stream.indirect_vreg.gather [hbm4b:s5+s3], $0x80, v3, vm0, $0xb8;
	[tilespmem:$0x18800] =	vst v63  }
0x398: {  	_ = 	snop  }
0x399: {  	[tilespmem:s31], [sflag:$0x1] =	stream.indirect_vreg.gather [hbm4b:s6+s3], $0x80, v3, vm0, $0xb8;
	[tilespmem:$0x18800] =	vst v63  }
0x39a: {  	v3 =	vld [tilespmem:$0x530];
	_ =	sdelay $0x4  }
0x39b: {  	v43 =	vshrl.u32 v3, $0x3  }
0x39c: {  	v4 =	vmul.u32 $0x30, v43  }
0x39d: {  	v3 =	vand.u32 $0x7, v3  }
0x39e: {  	v3 =	vor.u32 v3, v4  }
0x39f: {  	v4 =	vperm.xlane v3, v0;
	_ =	sdelay $0x1  }
0x3a0: {  	v4 =	vadd.s32 v1, v4;
	_ =	sdelay $0x3  }
0x3a1: {  	v3 =	vperm.xlane v3, v2  }
0x3a2: {  	[tilespmem:s28], [sflag:$0x1] =	stream.indirect_vreg.gather [hbm4b:s2+s3], $0x80, v4, vm0, $0xb8;
	[tilespmem:$0x18800] =	vst v63  }
0x3a3: {  	s29 =	simm.s32 $0xA000;
	v3 =	vadd.s32 v1, v3  }
0x3a4: {  	[tilespmem:s29], [sflag:$0x1] =	stream.indirect_vreg.gather [hbm4b:s5+s3], $0x80, v4, vm0, $0xb8;
	[tilespmem:$0x18800] =	vst v63  }
0x3a5: {  	s28 =	simm.s32 $0xA800  }
0x3a6: {  	[tilespmem:s28], [sflag:$0x1] =	stream.indirect_vreg.gather [hbm4b:s6+s3], $0x80, v4, vm0, $0xb8;
	[tilespmem:$0x18800] =	vst v63  }
0x3a7: {  	s29 =	simm.s32 $0xB000  }
0x3a8: {  	[tilespmem:s29], [sflag:$0x1] =	stream.indirect_vreg.gather [hbm4b:s2+s3], $0x80, v3, vm0, $0xb8;
	[tilespmem:$0x18800] =	vst v63  }
0x3a9: {  	s31 =	simm.s32 $0xB800  }
0x3aa: {  	[tilespmem:s31], [sflag:$0x1] =	stream.indirect_vreg.gather [hbm4b:s5+s3], $0x80, v3, vm0, $0xb8;
	[tilespmem:$0x18800] =	vst v63  }
0x3ab: {  	s30 =	simm.s32 $0xC000  }
0x3ac: {  	[tilespmem:s30], [sflag:$0x1] =	stream.indirect_vreg.gather [hbm4b:s6+s3], $0x80, v3, vm0, $0xb8;
	[tilespmem:$0x18800] =	vst v63  }
0x3ad: {  	s11 =	rddreg [dreg:$0xd];
	s31 =	simm.s32 $0xC800  }
0x3ae: {  	[hbm4b:s11+s3] =	stream.linear.scatter [tilespmem:s31], [sflag:$0x2], $0xC000, $0x38;
	[tilespmem:$0x18800] =	vst v63  }
0x3af: {  	_ =	swait.ge [sflag:s4], $0xC000  }
0x3b0: {  	[sflag:s4] =	ssyncset.done $0x0  }
0x3b1: {  	[sflag:s4] =	ssyncadd.s32 $0xFFFF4000  }
0x3b2: {  	_ =	swait.ge [sflag:s10], $0xC000  }
0x3b3: {  	[sflag:s10] =	ssyncset.done $0x0  }
0x3b4: {  	[sflag:s10] =	ssyncadd.s32 $0xFFFF4000  }
0x3b5: {  	v3 =	vld [tilespmem:$0x580];
	_ =	sdelay $0x4  }
0x3b6: {  	v44 =	vshrl.u32 v3, $0x3  }
0x3b7: {  	v4 =	vmul.u32 $0x30, v44  }
0x3b8: {  	v3 =	vand.u32 $0x7, v3  }
0x3b9: {  	v3 =	vor.u32 v3, v4  }
0x3ba: {  	v4 =	vperm.xlane v3, v0;
	_ =	sdelay $0x1  }
0x3bb: {  	v4 =	vadd.s32 v1, v4;
	_ =	sdelay $0x3  }
0x3bc: {  	v3 =	vperm.xlane v3, v2  }
0x3bd: {  	[tilespmem:s31], [sflag:$0x1] =	stream.indirect_vreg.gather [hbm4b:s2+s3], $0x80, v4, vm0, $0xb8;
	[tilespmem:$0x18800] =	vst v63  }
0x3be: {  	v3 =	vadd.s32 v1, v3;
	s31 =	simm.s32 $0xD000  }
0x3bf: {  	[tilespmem:s31], [sflag:$0x1] =	stream.indirect_vreg.gather [hbm4b:s5+s3], $0x80, v4, vm0, $0xb8;
	[tilespmem:$0x18800] =	vst v63  }
0x3c0: {  	s11 =	simm.s32 $0xD800  }
0x3c1: {  	[tilespmem:s11], [sflag:$0x1] =	stream.indirect_vreg.gather [hbm4b:s6+s3], $0x80, v4, vm0, $0xb8;
	[tilespmem:$0x18800] =	vst v63  }
0x3c2: {  	s11 =	simm.s32 $0xE000  }
0x3c3: {  	[tilespmem:s11], [sflag:$0x1] =	stream.indirect_vreg.gather [hbm4b:s2+s3], $0x80, v3, vm0, $0xb8;
	[tilespmem:$0x18800] =	vst v63  }
0x3c4: {  	s11 =	simm.s32 $0xE800  }
0x3c5: {  	[tilespmem:s11], [sflag:$0x1] =	stream.indirect_vreg.gather [hbm4b:s5+s3], $0x80, v3, vm0, $0xb8;
	[tilespmem:$0x18800] =	vst v63  }
0x3c6: {  	_ = 	snop  }
0x3c7: {  	[tilespmem:s9], [sflag:$0x1] =	stream.indirect_vreg.gather [hbm4b:s6+s3], $0x80, v3, vm0, $0xb8;
	[tilespmem:$0x18800] =	vst v63  }
0x3c8: {  	v3 =	vld [tilespmem:$0x590];
	_ =	sdelay $0x4  }
0x3c9: {  	v45 =	vshrl.u32 v3, $0x3  }
0x3ca: {  	v4 =	vmul.u32 $0x30, v45  }
0x3cb: {  	v3 =	vand.u32 $0x7, v3  }
0x3cc: {  	v3 =	vor.u32 v3, v4  }
0x3cd: {  	v4 =	vperm.xlane v3, v0;
	_ =	sdelay $0x1  }
0x3ce: {  	v4 =	vadd.s32 v1, v4;
	_ =	sdelay $0x3  }
0x3cf: {  	v3 =	vperm.xlane v3, v2  }
0x3d0: {  	[tilespmem:s17], [sflag:$0x1] =	stream.indirect_vreg.gather [hbm4b:s2+s3], $0x80, v4, vm0, $0xb8;
	[tilespmem:$0x18800] =	vst v63  }
0x3d1: {  	v3 =	vadd.s32 v1, v3;
	s17 =	simm.s32 $0x10000  }
0x3d2: {  	[tilespmem:s17], [sflag:$0x1] =	stream.indirect_vreg.gather [hbm4b:s5+s3], $0x80, v4, vm0, $0xb8;
	[tilespmem:$0x18800] =	vst v63  }
0x3d3: {  	s17 =	simm.s32 $0x10800  }
0x3d4: {  	[tilespmem:s17], [sflag:$0x1] =	stream.indirect_vreg.gather [hbm4b:s6+s3], $0x80, v4, vm0, $0xb8;
	[tilespmem:$0x18800] =	vst v63  }
0x3d5: {  	s9 =	simm.s32 $0x11000  }
0x3d6: {  	[tilespmem:s9], [sflag:$0x1] =	stream.indirect_vreg.gather [hbm4b:s2+s3], $0x80, v3, vm0, $0xb8;
	[tilespmem:$0x18800] =	vst v63  }
0x3d7: {  	s9 =	simm.s32 $0x11800  }
0x3d8: {  	[tilespmem:s9], [sflag:$0x1] =	stream.indirect_vreg.gather [hbm4b:s5+s3], $0x80, v3, vm0, $0xb8;
	[tilespmem:$0x18800] =	vst v63  }
0x3d9: {  	_ = 	snop  }
0x3da: {  	[tilespmem:s1], [sflag:$0x1] =	stream.indirect_vreg.gather [hbm4b:s6+s3], $0x80, v3, vm0, $0xb8;
	[tilespmem:$0x18800] =	vst v63  }
0x3db: {  	v3 =	vld [tilespmem:$0x5A0];
	_ =	sdelay $0x4  }
0x3dc: {  	v46 =	vshrl.u32 v3, $0x3  }
0x3dd: {  	v4 =	vmul.u32 $0x30, v46  }
0x3de: {  	v3 =	vand.u32 $0x7, v3  }
0x3df: {  	v3 =	vor.u32 v3, v4  }
0x3e0: {  	v4 =	vperm.xlane v3, v0;
	_ =	sdelay $0x1  }
0x3e1: {  	v4 =	vadd.s32 v1, v4;
	_ =	sdelay $0x3  }
0x3e2: {  	s9 =	simm.s32 $0x12800;
	v3 =	vperm.xlane v3, v2  }
0x3e3: {  	[tilespmem:s9], [sflag:$0x1] =	stream.indirect_vreg.gather [hbm4b:s2+s3], $0x80, v4, vm0, $0xb8;
	[tilespmem:$0x18800] =	vst v63  }
0x3e4: {  	s11 =	simm.s32 $0x13000;
	v3 =	vadd.s32 v1, v3  }
0x3e5: {  	[tilespmem:s11], [sflag:$0x1] =	stream.indirect_vreg.gather [hbm4b:s5+s3], $0x80, v4, vm0, $0xb8;
	[tilespmem:$0x18800] =	vst v63  }
0x3e6: {  	s9 =	simm.s32 $0x13800  }
0x3e7: {  	[tilespmem:s9], [sflag:$0x1] =	stream.indirect_vreg.gather [hbm4b:s6+s3], $0x80, v4, vm0, $0xb8;
	[tilespmem:$0x18800] =	vst v63  }
0x3e8: {  	s1 =	simm.s32 $0x14000  }
0x3e9: {  	[tilespmem:s1], [sflag:$0x1] =	stream.indirect_vreg.gather [hbm4b:s2+s3], $0x80, v3, vm0, $0xb8;
	[tilespmem:$0x18800] =	vst v63  }
0x3ea: {  	s1 =	simm.s32 $0x14800  }
0x3eb: {  	[tilespmem:s1], [sflag:$0x1] =	stream.indirect_vreg.gather [hbm4b:s5+s3], $0x80, v3, vm0, $0xb8;
	[tilespmem:$0x18800] =	vst v63  }
0x3ec: {  	_ = 	snop  }
0x3ed: {  	[tilespmem:s7], [sflag:$0x1] =	stream.indirect_vreg.gather [hbm4b:s6+s3], $0x80, v3, vm0, $0xb8;
	[tilespmem:$0x18800] =	vst v63  }
0x3ee: {  	v3 =	vld [tilespmem:$0x5B0];
	_ =	sdelay $0x4  }
0x3ef: {  	v47 =	vshrl.u32 v3, $0x3  }
0x3f0: {  	v4 =	vmul.u32 $0x30, v47  }
0x3f1: {  	v3 =	vand.u32 $0x7, v3  }
0x3f2: {  	v3 =	vor.u32 v3, v4  }
0x3f3: {  	v4 =	vperm.xlane v3, v0;
	_ =	sdelay $0x1  }
0x3f4: {  	v4 =	vadd.s32 v1, v4;
	_ =	sdelay $0x3  }
0x3f5: {  	v3 =	vperm.xlane v3, v2  }
0x3f6: {  	[tilespmem:s13], [sflag:$0x1] =	stream.indirect_vreg.gather [hbm4b:s2+s3], $0x80, v4, vm0, $0xb8;
	[tilespmem:$0x18800] =	vst v63  }
0x3f7: {  	v3 =	vadd.s32 v1, v3;
	s13 =	simm.s32 $0x16000  }
0x3f8: {  	[tilespmem:s13], [sflag:$0x1] =	stream.indirect_vreg.gather [hbm4b:s5+s3], $0x80, v4, vm0, $0xb8;
	[tilespmem:$0x18800] =	vst v63  }
0x3f9: {  	s13 =	simm.s32 $0x16800  }
0x3fa: {  	[tilespmem:s13], [sflag:$0x1] =	stream.indirect_vreg.gather [hbm4b:s6+s3], $0x80, v4, vm0, $0xb8;
	[tilespmem:$0x18800] =	vst v63  }
0x3fb: {  	s7 =	simm.s32 $0x17000  }
0x3fc: {  	[tilespmem:s7], [sflag:$0x1] =	stream.indirect_vreg.gather [hbm4b:s2+s3], $0x80, v3, vm0, $0xb8;
	[tilespmem:$0x18800] =	vst v63  }
0x3fd: {  	_ = 	snop  }
0x3fe: {  	[tilespmem:s8], [sflag:$0x1] =	stream.indirect_vreg.gather [hbm4b:s5+s3], $0x80, v3, vm0, $0xb8;
	[tilespmem:$0x18800] =	vst v63  }
0x3ff: {  	_ = 	snop  }
0x400: {  	[tilespmem:s12], [sflag:$0x1] =	stream.indirect_vreg.gather [hbm4b:s6+s3], $0x80, v3, vm0, $0xb8;
	[tilespmem:$0x18800] =	vst v63  }
0x401: {  	s0 =	simm.s32 $0x800;
	s8 =	rddreg [dreg:$0xe]  }
0x402: {  	[hbm4b:s8+s3] =	stream.linear.scatter [tilespmem:s0], [sflag:$0x2], $0xC000, $0x38;
	[tilespmem:$0x18800] =	vst v63  }
0x403: {  	_ =	swait.ge [sflag:s4], $0xC000  }
0x404: {  	[sflag:s4] =	ssyncset.done $0x0  }
0x405: {  	[sflag:s4] =	ssyncadd.s32 $0xFFFF4000  }
0x406: {  	_ =	swait.ge [sflag:s10], $0xC000  }
0x407: {  	[sflag:s10] =	ssyncset.done $0x0  }
0x408: {  	[sflag:s10] =	ssyncadd.s32 $0xFFFF4000  }
0x409: {  	v3 =	vld [tilespmem:$0x600];
	_ =	sdelay $0x4  }
0x40a: {  	v48 =	vshrl.u32 v3, $0x3  }
0x40b: {  	v4 =	vmul.u32 $0x30, v48  }
0x40c: {  	v3 =	vand.u32 $0x7, v3  }
0x40d: {  	v3 =	vor.u32 v3, v4  }
0x40e: {  	v4 =	vperm.xlane v3, v0;
	_ =	sdelay $0x1  }
0x40f: {  	v4 =	vadd.s32 v1, v4;
	_ =	sdelay $0x3  }
0x410: {  	v3 =	vperm.xlane v3, v2  }
0x411: {  	[tilespmem:s0], [sflag:$0x1] =	stream.indirect_vreg.gather [hbm4b:s2+s3], $0x80, v4, vm0, $0xb8;
	[tilespmem:$0x18800] =	vst v63  }
0x412: {  	v3 =	vadd.s32 v1, v3  }
0x413: {  	[tilespmem:s14], [sflag:$0x1] =	stream.indirect_vreg.gather [hbm4b:s5+s3], $0x80, v4, vm0, $0xb8;
	[tilespmem:$0x18800] =	vst v63  }
0x414: {  	_ = 	snop  }
0x415: {  	[tilespmem:s15], [sflag:$0x1] =	stream.indirect_vreg.gather [hbm4b:s6+s3], $0x80, v4, vm0, $0xb8;
	[tilespmem:$0x18800] =	vst v63  }
0x416: {  	_ = 	snop  }
0x417: {  	[tilespmem:s16], [sflag:$0x1] =	stream.indirect_vreg.gather [hbm4b:s2+s3], $0x80, v3, vm0, $0xb8;
	[tilespmem:$0x18800] =	vst v63  }
0x418: {  	_ = 	snop  }
0x419: {  	[tilespmem:s18], [sflag:$0x1] =	stream.indirect_vreg.gather [hbm4b:s5+s3], $0x80, v3, vm0, $0xb8;
	[tilespmem:$0x18800] =	vst v63  }
0x41a: {  	_ = 	snop  }
0x41b: {  	[tilespmem:s24], [sflag:$0x1] =	stream.indirect_vreg.gather [hbm4b:s6+s3], $0x80, v3, vm0, $0xb8;
	[tilespmem:$0x18800] =	vst v63  }
0x41c: {  	v3 =	vld [tilespmem:$0x610];
	_ =	sdelay $0x4  }
0x41d: {  	v49 =	vshrl.u32 v3, $0x3  }
0x41e: {  	v4 =	vmul.u32 $0x30, v49  }
0x41f: {  	v3 =	vand.u32 $0x7, v3  }
0x420: {  	v3 =	vor.u32 v3, v4  }
0x421: {  	v4 =	vperm.xlane v3, v0;
	_ =	sdelay $0x1  }
0x422: {  	v4 =	vadd.s32 v1, v4;
	_ =	sdelay $0x3  }
0x423: {  	v3 =	vperm.xlane v3, v2  }
0x424: {  	[tilespmem:s25], [sflag:$0x1] =	stream.indirect_vreg.gather [hbm4b:s2+s3], $0x80, v4, vm0, $0xb8;
	[tilespmem:$0x18800] =	vst v63  }
0x425: {  	v3 =	vadd.s32 v1, v3  }
0x426: {  	[tilespmem:s19], [sflag:$0x1] =	stream.indirect_vreg.gather [hbm4b:s5+s3], $0x80, v4, vm0, $0xb8;
	[tilespmem:$0x18800] =	vst v63  }
0x427: {  	_ = 	snop  }
0x428: {  	[tilespmem:s20], [sflag:$0x1] =	stream.indirect_vreg.gather [hbm4b:s6+s3], $0x80, v4, vm0, $0xb8;
	[tilespmem:$0x18800] =	vst v63  }
0x429: {  	_ = 	snop  }
0x42a: {  	[tilespmem:s21], [sflag:$0x1] =	stream.indirect_vreg.gather [hbm4b:s2+s3], $0x80, v3, vm0, $0xb8;
	[tilespmem:$0x18800] =	vst v63  }
0x42b: {  	_ = 	snop  }
0x42c: {  	[tilespmem:s22], [sflag:$0x1] =	stream.indirect_vreg.gather [hbm4b:s5+s3], $0x80, v3, vm0, $0xb8;
	[tilespmem:$0x18800] =	vst v63  }
0x42d: {  	_ = 	snop  }
0x42e: {  	[tilespmem:s26], [sflag:$0x1] =	stream.indirect_vreg.gather [hbm4b:s6+s3], $0x80, v3, vm0, $0xb8;
	[tilespmem:$0x18800] =	vst v63  }
0x42f: {  	v3 =	vld [tilespmem:$0x620];
	_ =	sdelay $0x4  }
0x430: {  	v50 =	vshrl.u32 v3, $0x3  }
0x431: {  	v4 =	vmul.u32 $0x30, v50  }
0x432: {  	v3 =	vand.u32 $0x7, v3  }
0x433: {  	v3 =	vor.u32 v3, v4  }
0x434: {  	v4 =	vperm.xlane v3, v0;
	_ =	sdelay $0x1  }
0x435: {  	v4 =	vadd.s32 v1, v4;
	_ =	sdelay $0x3  }
0x436: {  	s20 =	simm.s32 $0x6800;
	v3 =	vperm.xlane v3, v2  }
0x437: {  	[tilespmem:s20], [sflag:$0x1] =	stream.indirect_vreg.gather [hbm4b:s2+s3], $0x80, v4, vm0, $0xb8;
	[tilespmem:$0x18800] =	vst v63  }
0x438: {  	s22 =	simm.s32 $0x7000;
	v3 =	vadd.s32 v1, v3  }
0x439: {  	[tilespmem:s22], [sflag:$0x1] =	stream.indirect_vreg.gather [hbm4b:s5+s3], $0x80, v4, vm0, $0xb8;
	[tilespmem:$0x18800] =	vst v63  }
0x43a: {  	s26 =	simm.s32 $0x7800  }
0x43b: {  	[tilespmem:s26], [sflag:$0x1] =	stream.indirect_vreg.gather [hbm4b:s6+s3], $0x80, v4, vm0, $0xb8;
	[tilespmem:$0x18800] =	vst v63  }
0x43c: {  	s1 =	simm.s32 $0x8000  }
0x43d: {  	[tilespmem:s1], [sflag:$0x1] =	stream.indirect_vreg.gather [hbm4b:s2+s3], $0x80, v3, vm0, $0xb8;
	[tilespmem:$0x18800] =	vst v63  }
0x43e: {  	_ = 	snop  }
0x43f: {  	[tilespmem:s23], [sflag:$0x1] =	stream.indirect_vreg.gather [hbm4b:s5+s3], $0x80, v3, vm0, $0xb8;
	[tilespmem:$0x18800] =	vst v63  }
0x440: {  	s7 =	simm.s32 $0x9000  }
0x441: {  	[tilespmem:s7], [sflag:$0x1] =	stream.indirect_vreg.gather [hbm4b:s6+s3], $0x80, v3, vm0, $0xb8;
	[tilespmem:$0x18800] =	vst v63  }
0x442: {  	v3 =	vld [tilespmem:$0x630];
	_ =	sdelay $0x4  }
0x443: {  	v51 =	vshrl.u32 v3, $0x3  }
0x444: {  	v4 =	vmul.u32 $0x30, v51  }
0x445: {  	v3 =	vand.u32 $0x7, v3  }
0x446: {  	v3 =	vor.u32 v3, v4  }
0x447: {  	v4 =	vperm.xlane v3, v0;
	_ =	sdelay $0x1  }
0x448: {  	v4 =	vadd.s32 v1, v4;
	_ =	sdelay $0x3  }
0x449: {  	s14 =	simm.s32 $0x9800;
	v3 =	vperm.xlane v3, v2  }
0x44a: {  	[tilespmem:s14], [sflag:$0x1] =	stream.indirect_vreg.gather [hbm4b:s2+s3], $0x80, v4, vm0, $0xb8;
	[tilespmem:$0x18800] =	vst v63  }
0x44b: {  	s12 =	simm.s32 $0xA000;
	v3 =	vadd.s32 v1, v3  }
0x44c: {  	[tilespmem:s12], [sflag:$0x1] =	stream.indirect_vreg.gather [hbm4b:s5+s3], $0x80, v4, vm0, $0xb8;
	[tilespmem:$0x18800] =	vst v63  }
0x44d: {  	_ = 	snop  }
0x44e: {  	[tilespmem:s28], [sflag:$0x1] =	stream.indirect_vreg.gather [hbm4b:s6+s3], $0x80, v4, vm0, $0xb8;
	[tilespmem:$0x18800] =	vst v63  }
0x44f: {  	_ = 	snop  }
0x450: {  	[tilespmem:s29], [sflag:$0x1] =	stream.indirect_vreg.gather [hbm4b:s2+s3], $0x80, v3, vm0, $0xb8;
	[tilespmem:$0x18800] =	vst v63  }
0x451: {  	s28 =	simm.s32 $0xB800  }
0x452: {  	[tilespmem:s28], [sflag:$0x1] =	stream.indirect_vreg.gather [hbm4b:s5+s3], $0x80, v3, vm0, $0xb8;
	[tilespmem:$0x18800] =	vst v63  }
0x453: {  	_ = 	snop  }
0x454: {  	[tilespmem:s30], [sflag:$0x1] =	stream.indirect_vreg.gather [hbm4b:s6+s3], $0x80, v3, vm0, $0xb8;
	[tilespmem:$0x18800] =	vst v63  }
0x455: {  	s29 =	rddreg [dreg:$0xf];
	s30 =	simm.s32 $0xC800  }
0x456: {  	[hbm4b:s29+s3] =	stream.linear.scatter [tilespmem:s30], [sflag:$0x2], $0xC000, $0x38;
	[tilespmem:$0x18800] =	vst v63  }
0x457: {  	_ =	swait.ge [sflag:s4], $0xC000  }
0x458: {  	[sflag:s4] =	ssyncset.done $0x0  }
0x459: {  	[sflag:s4] =	ssyncadd.s32 $0xFFFF4000  }
0x45a: {  	_ =	swait.ge [sflag:s10], $0xC000  }
0x45b: {  	[sflag:s10] =	ssyncset.done $0x0  }
0x45c: {  	[sflag:s10] =	ssyncadd.s32 $0xFFFF4000  }
0x45d: {  	v3 =	vld [tilespmem:$0x680];
	_ =	sdelay $0x4  }
0x45e: {  	v52 =	vshrl.u32 v3, $0x3  }
0x45f: {  	v4 =	vmul.u32 $0x30, v52  }
0x460: {  	v3 =	vand.u32 $0x7, v3  }
0x461: {  	v3 =	vor.u32 v3, v4  }
0x462: {  	v4 =	vperm.xlane v3, v0;
	_ =	sdelay $0x1  }
0x463: {  	v4 =	vadd.s32 v1, v4;
	_ =	sdelay $0x3  }
0x464: {  	v3 =	vperm.xlane v3, v2  }
0x465: {  	[tilespmem:s30], [sflag:$0x1] =	stream.indirect_vreg.gather [hbm4b:s2+s3], $0x80, v4, vm0, $0xb8;
	[tilespmem:$0x18800] =	vst v63  }
0x466: {  	v3 =	vadd.s32 v1, v3  }
0x467: {  	[tilespmem:s31], [sflag:$0x1] =	stream.indirect_vreg.gather [hbm4b:s5+s3], $0x80, v4, vm0, $0xb8;
	[tilespmem:$0x18800] =	vst v63  }
0x468: {  	s31 =	simm.s32 $0xD800  }
0x469: {  	[tilespmem:s31], [sflag:$0x1] =	stream.indirect_vreg.gather [hbm4b:s6+s3], $0x80, v4, vm0, $0xb8;
	[tilespmem:$0x18800] =	vst v63  }
0x46a: {  	s0 =	simm.s32 $0xE000  }
0x46b: {  	[tilespmem:s0], [sflag:$0x1] =	stream.indirect_vreg.gather [hbm4b:s2+s3], $0x80, v3, vm0, $0xb8;
	[tilespmem:$0x18800] =	vst v63  }
0x46c: {  	s8 =	simm.s32 $0xE800  }
0x46d: {  	[tilespmem:s8], [sflag:$0x1] =	stream.indirect_vreg.gather [hbm4b:s5+s3], $0x80, v3, vm0, $0xb8;
	[tilespmem:$0x18800] =	vst v63  }
0x46e: {  	s11 =	simm.s32 $0xF000  }
0x46f: {  	[tilespmem:s11], [sflag:$0x1] =	stream.indirect_vreg.gather [hbm4b:s6+s3], $0x80, v3, vm0, $0xb8;
	[tilespmem:$0x18800] =	vst v63  }
0x470: {  	v3 =	vld [tilespmem:$0x690];
	_ =	sdelay $0x4  }
0x471: {  	v53 =	vshrl.u32 v3, $0x3  }
0x472: {  	v4 =	vmul.u32 $0x30, v53  }
0x473: {  	v3 =	vand.u32 $0x7, v3  }
0x474: {  	v3 =	vor.u32 v3, v4  }
0x475: {  	v4 =	vperm.xlane v3, v0;
	_ =	sdelay $0x1  }
0x476: {  	v4 =	vadd.s32 v1, v4;
	_ =	sdelay $0x3  }
0x477: {  	s8 =	simm.s32 $0xF800;
	v3 =	vperm.xlane v3, v2  }
0x478: {  	[tilespmem:s8], [sflag:$0x1] =	stream.indirect_vreg.gather [hbm4b:s2+s3], $0x80, v4, vm0, $0xb8;
	[tilespmem:$0x18800] =	vst v63  }
0x479: {  	s11 =	simm.s32 $0x10000;
	v3 =	vadd.s32 v1, v3  }
0x47a: {  	[tilespmem:s11], [sflag:$0x1] =	stream.indirect_vreg.gather [hbm4b:s5+s3], $0x80, v4, vm0, $0xb8;
	[tilespmem:$0x18800] =	vst v63  }
0x47b: {  	_ = 	snop  }
0x47c: {  	[tilespmem:s17], [sflag:$0x1] =	stream.indirect_vreg.gather [hbm4b:s6+s3], $0x80, v4, vm0, $0xb8;
	[tilespmem:$0x18800] =	vst v63  }
0x47d: {  	s8 =	simm.s32 $0x11000  }
0x47e: {  	[tilespmem:s8], [sflag:$0x1] =	stream.indirect_vreg.gather [hbm4b:s2+s3], $0x80, v3, vm0, $0xb8;
	[tilespmem:$0x18800] =	vst v63  }
0x47f: {  	s11 =	simm.s32 $0x11800  }
0x480: {  	[tilespmem:s11], [sflag:$0x1] =	stream.indirect_vreg.gather [hbm4b:s5+s3], $0x80, v3, vm0, $0xb8;
	[tilespmem:$0x18800] =	vst v63  }
0x481: {  	s8 =	simm.s32 $0x12000  }
0x482: {  	[tilespmem:s8], [sflag:$0x1] =	stream.indirect_vreg.gather [hbm4b:s6+s3], $0x80, v3, vm0, $0xb8;
	[tilespmem:$0x18800] =	vst v63  }
0x483: {  	v3 =	vld [tilespmem:$0x6A0];
	_ =	sdelay $0x4  }
0x484: {  	v54 =	vshrl.u32 v3, $0x3  }
0x485: {  	v4 =	vmul.u32 $0x30, v54  }
0x486: {  	v3 =	vand.u32 $0x7, v3  }
0x487: {  	v3 =	vor.u32 v3, v4  }
0x488: {  	v4 =	vperm.xlane v3, v0;
	_ =	sdelay $0x1  }
0x489: {  	v4 =	vadd.s32 v1, v4;
	_ =	sdelay $0x3  }
0x48a: {  	s11 =	simm.s32 $0x12800;
	v3 =	vperm.xlane v3, v2  }
0x48b: {  	[tilespmem:s11], [sflag:$0x1] =	stream.indirect_vreg.gather [hbm4b:s2+s3], $0x80, v4, vm0, $0xb8;
	[tilespmem:$0x18800] =	vst v63  }
0x48c: {  	s8 =	simm.s32 $0x13000;
	v3 =	vadd.s32 v1, v3  }
0x48d: {  	[tilespmem:s8], [sflag:$0x1] =	stream.indirect_vreg.gather [hbm4b:s5+s3], $0x80, v4, vm0, $0xb8;
	[tilespmem:$0x18800] =	vst v63  }
0x48e: {  	_ = 	snop  }
0x48f: {  	[tilespmem:s9], [sflag:$0x1] =	stream.indirect_vreg.gather [hbm4b:s6+s3], $0x80, v4, vm0, $0xb8;
	[tilespmem:$0x18800] =	vst v63  }
0x490: {  	s11 =	simm.s32 $0x14000  }
0x491: {  	[tilespmem:s11], [sflag:$0x1] =	stream.indirect_vreg.gather [hbm4b:s2+s3], $0x80, v3, vm0, $0xb8;
	[tilespmem:$0x18800] =	vst v63  }
0x492: {  	s8 =	simm.s32 $0x14800  }
0x493: {  	[tilespmem:s8], [sflag:$0x1] =	stream.indirect_vreg.gather [hbm4b:s5+s3], $0x80, v3, vm0, $0xb8;
	[tilespmem:$0x18800] =	vst v63  }
0x494: {  	s9 =	simm.s32 $0x15000  }
0x495: {  	[tilespmem:s9], [sflag:$0x1] =	stream.indirect_vreg.gather [hbm4b:s6+s3], $0x80, v3, vm0, $0xb8;
	[tilespmem:$0x18800] =	vst v63  }
0x496: {  	v3 =	vld [tilespmem:$0x6B0];
	_ =	sdelay $0x4  }
0x497: {  	v55 =	vshrl.u32 v3, $0x3  }
0x498: {  	v4 =	vmul.u32 $0x30, v55  }
0x499: {  	v3 =	vand.u32 $0x7, v3  }
0x49a: {  	v3 =	vor.u32 v3, v4  }
0x49b: {  	v4 =	vperm.xlane v3, v0;
	_ =	sdelay $0x1  }
0x49c: {  	v4 =	vadd.s32 v1, v4;
	_ =	sdelay $0x3  }
0x49d: {  	s11 =	simm.s32 $0x15800;
	v3 =	vperm.xlane v3, v2  }
0x49e: {  	[tilespmem:s11], [sflag:$0x1] =	stream.indirect_vreg.gather [hbm4b:s2+s3], $0x80, v4, vm0, $0xb8;
	[tilespmem:$0x18800] =	vst v63  }
0x49f: {  	s8 =	simm.s32 $0x16000;
	v3 =	vadd.s32 v1, v3  }
0x4a0: {  	[tilespmem:s8], [sflag:$0x1] =	stream.indirect_vreg.gather [hbm4b:s5+s3], $0x80, v4, vm0, $0xb8;
	[tilespmem:$0x18800] =	vst v63  }
0x4a1: {  	_ = 	snop  }
0x4a2: {  	[tilespmem:s13], [sflag:$0x1] =	stream.indirect_vreg.gather [hbm4b:s6+s3], $0x80, v4, vm0, $0xb8;
	[tilespmem:$0x18800] =	vst v63  }
0x4a3: {  	s9 =	simm.s32 $0x17000  }
0x4a4: {  	[tilespmem:s9], [sflag:$0x1] =	stream.indirect_vreg.gather [hbm4b:s2+s3], $0x80, v3, vm0, $0xb8;
	[tilespmem:$0x18800] =	vst v63  }
0x4a5: {  	s11 =	simm.s32 $0x17800  }
0x4a6: {  	[tilespmem:s11], [sflag:$0x1] =	stream.indirect_vreg.gather [hbm4b:s5+s3], $0x80, v3, vm0, $0xb8;
	[tilespmem:$0x18800] =	vst v63  }
0x4a7: {  	s8 =	simm.s32 $0x18000  }
0x4a8: {  	[tilespmem:s8], [sflag:$0x1] =	stream.indirect_vreg.gather [hbm4b:s6+s3], $0x80, v3, vm0, $0xb8;
	[tilespmem:$0x18800] =	vst v63  }
0x4a9: {  	s0 =	rddreg [dreg:$0x10];
	s9 =	simm.s32 $0x800  }
0x4aa: {  	[hbm4b:s0+s3] =	stream.linear.scatter [tilespmem:s9], [sflag:$0x2], $0xC000, $0x38;
	[tilespmem:$0x18800] =	vst v63  }
0x4ab: {  	_ =	swait.ge [sflag:s4], $0xC000  }
0x4ac: {  	[sflag:s4] =	ssyncset.done $0x0  }
0x4ad: {  	[sflag:s4] =	ssyncadd.s32 $0xFFFF4000  }
0x4ae: {  	_ =	swait.ge [sflag:s10], $0xC000  }
0x4af: {  	[sflag:s10] =	ssyncset.done $0x0  }
0x4b0: {  	[sflag:s10] =	ssyncadd.s32 $0xFFFF4000  }
0x4b1: {  	v3 =	vld [tilespmem:$0x700];
	_ =	sdelay $0x4  }
0x4b2: {  	v56 =	vshrl.u32 v3, $0x3  }
0x4b3: {  	v4 =	vmul.u32 $0x30, v56  }
0x4b4: {  	v3 =	vand.u32 $0x7, v3  }
0x4b5: {  	v3 =	vor.u32 v3, v4  }
0x4b6: {  	v4 =	vperm.xlane v3, v0;
	_ =	sdelay $0x1  }
0x4b7: {  	v4 =	vadd.s32 v1, v4;
	_ =	sdelay $0x3  }
0x4b8: {  	v3 =	vperm.xlane v3, v2  }
0x4b9: {  	[tilespmem:s9], [sflag:$0x1] =	stream.indirect_vreg.gather [hbm4b:s2+s3], $0x80, v4, vm0, $0xb8;
	[tilespmem:$0x18800] =	vst v63  }
0x4ba: {  	s11 =	simm.s32 $0x1000;
	v3 =	vadd.s32 v1, v3  }
0x4bb: {  	[tilespmem:s11], [sflag:$0x1] =	stream.indirect_vreg.gather [hbm4b:s5+s3], $0x80, v4, vm0, $0xb8;
	[tilespmem:$0x18800] =	vst v63  }
0x4bc: {  	s11 =	simm.s32 $0x1800  }
0x4bd: {  	[tilespmem:s11], [sflag:$0x1] =	stream.indirect_vreg.gather [hbm4b:s6+s3], $0x80, v4, vm0, $0xb8;
	[tilespmem:$0x18800] =	vst v63  }
0x4be: {  	s11 =	simm.s32 $0x2000  }
0x4bf: {  	[tilespmem:s11], [sflag:$0x1] =	stream.indirect_vreg.gather [hbm4b:s2+s3], $0x80, v3, vm0, $0xb8;
	[tilespmem:$0x18800] =	vst v63  }
0x4c0: {  	s11 =	simm.s32 $0x2800  }
0x4c1: {  	[tilespmem:s11], [sflag:$0x1] =	stream.indirect_vreg.gather [hbm4b:s5+s3], $0x80, v3, vm0, $0xb8;
	[tilespmem:$0x18800] =	vst v63  }
0x4c2: {  	s24 =	simm.s32 $0x3000  }
0x4c3: {  	[tilespmem:s24], [sflag:$0x1] =	stream.indirect_vreg.gather [hbm4b:s6+s3], $0x80, v3, vm0, $0xb8;
	[tilespmem:$0x18800] =	vst v63  }
0x4c4: {  	v3 =	vld [tilespmem:$0x710];
	_ =	sdelay $0x4  }
0x4c5: {  	v57 =	vshrl.u32 v3, $0x3  }
0x4c6: {  	v4 =	vmul.u32 $0x30, v57  }
0x4c7: {  	v3 =	vand.u32 $0x7, v3  }
0x4c8: {  	v3 =	vor.u32 v3, v4  }
0x4c9: {  	v4 =	vperm.xlane v3, v0;
	_ =	sdelay $0x1  }
0x4ca: {  	v4 =	vadd.s32 v1, v4;
	_ =	sdelay $0x3  }
0x4cb: {  	s25 =	simm.s32 $0x3800;
	v3 =	vperm.xlane v3, v2  }
0x4cc: {  	[tilespmem:s25], [sflag:$0x1] =	stream.indirect_vreg.gather [hbm4b:s2+s3], $0x80, v4, vm0, $0xb8;
	[tilespmem:$0x18800] =	vst v63  }
0x4cd: {  	s11 =	simm.s32 $0x4000;
	v3 =	vadd.s32 v1, v3  }
0x4ce: {  	[tilespmem:s11], [sflag:$0x1] =	stream.indirect_vreg.gather [hbm4b:s5+s3], $0x80, v4, vm0, $0xb8;
	[tilespmem:$0x18800] =	vst v63  }
0x4cf: {  	s16 =	simm.s32 $0x4800  }
0x4d0: {  	[tilespmem:s16], [sflag:$0x1] =	stream.indirect_vreg.gather [hbm4b:s6+s3], $0x80, v4, vm0, $0xb8;
	[tilespmem:$0x18800] =	vst v63  }
0x4d1: {  	s18 =	simm.s32 $0x5000  }
0x4d2: {  	[tilespmem:s18], [sflag:$0x1] =	stream.indirect_vreg.gather [hbm4b:s2+s3], $0x80, v3, vm0, $0xb8;
	[tilespmem:$0x18800] =	vst v63  }
0x4d3: {  	s19 =	simm.s32 $0x5800  }
0x4d4: {  	[tilespmem:s19], [sflag:$0x1] =	stream.indirect_vreg.gather [hbm4b:s5+s3], $0x80, v3, vm0, $0xb8;
	[tilespmem:$0x18800] =	vst v63  }
0x4d5: {  	s21 =	simm.s32 $0x6000  }
0x4d6: {  	[tilespmem:s21], [sflag:$0x1] =	stream.indirect_vreg.gather [hbm4b:s6+s3], $0x80, v3, vm0, $0xb8;
	[tilespmem:$0x18800] =	vst v63  }
0x4d7: {  	v3 =	vld [tilespmem:$0x720];
	_ =	sdelay $0x4  }
0x4d8: {  	v58 =	vshrl.u32 v3, $0x3  }
0x4d9: {  	v4 =	vmul.u32 $0x30, v58  }
0x4da: {  	v3 =	vand.u32 $0x7, v3  }
0x4db: {  	v3 =	vor.u32 v3, v4  }
0x4dc: {  	v4 =	vperm.xlane v3, v0;
	_ =	sdelay $0x1  }
0x4dd: {  	v4 =	vadd.s32 v1, v4;
	_ =	sdelay $0x3  }
0x4de: {  	s19 =	simm.s32 $0x6800;
	v3 =	vperm.xlane v3, v2  }
0x4df: {  	[tilespmem:s19], [sflag:$0x1] =	stream.indirect_vreg.gather [hbm4b:s2+s3], $0x80, v4, vm0, $0xb8;
	[tilespmem:$0x18800] =	vst v63  }
0x4e0: {  	s21 =	simm.s32 $0x7000;
	v3 =	vadd.s32 v1, v3  }
0x4e1: {  	[tilespmem:s21], [sflag:$0x1] =	stream.indirect_vreg.gather [hbm4b:s5+s3], $0x80, v4, vm0, $0xb8;
	[tilespmem:$0x18800] =	vst v63  }
0x4e2: {  	s24 =	simm.s32 $0x7800  }
0x4e3: {  	[tilespmem:s24], [sflag:$0x1] =	stream.indirect_vreg.gather [hbm4b:s6+s3], $0x80, v4, vm0, $0xb8;
	[tilespmem:$0x18800] =	vst v63  }
0x4e4: {  	_ = 	snop  }
0x4e5: {  	[tilespmem:s1], [sflag:$0x1] =	stream.indirect_vreg.gather [hbm4b:s2+s3], $0x80, v3, vm0, $0xb8;
	[tilespmem:$0x18800] =	vst v63  }
0x4e6: {  	s20 =	simm.s32 $0x8800  }
0x4e7: {  	[tilespmem:s20], [sflag:$0x1] =	stream.indirect_vreg.gather [hbm4b:s5+s3], $0x80, v3, vm0, $0xb8;
	[tilespmem:$0x18800] =	vst v63  }
0x4e8: {  	_ = 	snop  }
0x4e9: {  	[tilespmem:s7], [sflag:$0x1] =	stream.indirect_vreg.gather [hbm4b:s6+s3], $0x80, v3, vm0, $0xb8;
	[tilespmem:$0x18800] =	vst v63  }
0x4ea: {  	v3 =	vld [tilespmem:$0x730];
	_ =	sdelay $0x4  }
0x4eb: {  	v59 =	vshrl.u32 v3, $0x3  }
0x4ec: {  	v4 =	vmul.u32 $0x30, v59  }
0x4ed: {  	v3 =	vand.u32 $0x7, v3  }
0x4ee: {  	v3 =	vor.u32 v3, v4  }
0x4ef: {  	v4 =	vperm.xlane v3, v0;
	_ =	sdelay $0x1  }
0x4f0: {  	v4 =	vadd.s32 v1, v4;
	_ =	sdelay $0x3  }
0x4f1: {  	v3 =	vperm.xlane v3, v2  }
0x4f2: {  	[tilespmem:s14], [sflag:$0x1] =	stream.indirect_vreg.gather [hbm4b:s2+s3], $0x80, v4, vm0, $0xb8;
	[tilespmem:$0x18800] =	vst v63  }
0x4f3: {  	v3 =	vadd.s32 v1, v3  }
0x4f4: {  	[tilespmem:s12], [sflag:$0x1] =	stream.indirect_vreg.gather [hbm4b:s5+s3], $0x80, v4, vm0, $0xb8;
	[tilespmem:$0x18800] =	vst v63  }
0x4f5: {  	s22 =	simm.s32 $0xA800  }
0x4f6: {  	[tilespmem:s22], [sflag:$0x1] =	stream.indirect_vreg.gather [hbm4b:s6+s3], $0x80, v4, vm0, $0xb8;
	[tilespmem:$0x18800] =	vst v63  }
0x4f7: {  	s23 =	simm.s32 $0xB000  }
0x4f8: {  	[tilespmem:s23], [sflag:$0x1] =	stream.indirect_vreg.gather [hbm4b:s2+s3], $0x80, v3, vm0, $0xb8;
	[tilespmem:$0x18800] =	vst v63  }
0x4f9: {  	s25 =	simm.s32 $0xB800  }
0x4fa: {  	[tilespmem:s25], [sflag:$0x1] =	stream.indirect_vreg.gather [hbm4b:s5+s3], $0x80, v3, vm0, $0xb8;
	[tilespmem:$0x18800] =	vst v63  }
0x4fb: {  	s26 =	simm.s32 $0xC000  }
0x4fc: {  	[tilespmem:s26], [sflag:$0x1] =	stream.indirect_vreg.gather [hbm4b:s6+s3], $0x80, v3, vm0, $0xb8;
	[tilespmem:$0x18800] =	vst v63  }
0x4fd: {  	s15 =	simm.s32 $0xC800;
	s1 =	rddreg [dreg:$0x11]  }
0x4fe: {  	[hbm4b:s1+s3] =	stream.linear.scatter [tilespmem:s15], [sflag:$0x2], $0xC000, $0x38;
	[tilespmem:$0x18800] =	vst v63  }
0x4ff: {  	_ =	swait.ge [sflag:s4], $0xC000  }
0x500: {  	[sflag:s4] =	ssyncset.done $0x0  }
0x501: {  	[sflag:s4] =	ssyncadd.s32 $0xFFFF4000  }
0x502: {  	_ =	swait.ge [sflag:s10], $0xC000  }
0x503: {  	[sflag:s10] =	ssyncset.done $0x0  }
0x504: {  	[sflag:s10] =	ssyncadd.s32 $0xFFFF4000  }
0x505: {  	v3 =	vld [tilespmem:$0x780];
	_ =	sdelay $0x4  }
0x506: {  	v60 =	vshrl.u32 v3, $0x3  }
0x507: {  	v4 =	vmul.u32 $0x30, v60  }
0x508: {  	v3 =	vand.u32 $0x7, v3  }
0x509: {  	v3 =	vor.u32 v3, v4  }
0x50a: {  	v4 =	vperm.xlane v3, v0;
	_ =	sdelay $0x1  }
0x50b: {  	v4 =	vadd.s32 v1, v4;
	_ =	sdelay $0x3  }
0x50c: {  	v3 =	vperm.xlane v3, v2  }
0x50d: {  	[tilespmem:s15], [sflag:$0x1] =	stream.indirect_vreg.gather [hbm4b:s2+s3], $0x80, v4, vm0, $0xb8;
	[tilespmem:$0x18800] =	vst v63  }
0x50e: {  	s28 =	simm.s32 $0xD000;
	v3 =	vadd.s32 v1, v3  }
0x50f: {  	[tilespmem:s28], [sflag:$0x1] =	stream.indirect_vreg.gather [hbm4b:s5+s3], $0x80, v4, vm0, $0xb8;
	[tilespmem:$0x18800] =	vst v63  }
0x510: {  	s29 =	simm.s32 $0xD800  }
0x511: {  	[tilespmem:s29], [sflag:$0x1] =	stream.indirect_vreg.gather [hbm4b:s6+s3], $0x80, v4, vm0, $0xb8;
	[tilespmem:$0x18800] =	vst v63  }
0x512: {  	s30 =	simm.s32 $0xE000  }
0x513: {  	[tilespmem:s30], [sflag:$0x1] =	stream.indirect_vreg.gather [hbm4b:s2+s3], $0x80, v3, vm0, $0xb8;
	[tilespmem:$0x18800] =	vst v63  }
0x514: {  	s31 =	simm.s32 $0xE800  }
0x515: {  	[tilespmem:s31], [sflag:$0x1] =	stream.indirect_vreg.gather [hbm4b:s5+s3], $0x80, v3, vm0, $0xb8;
	[tilespmem:$0x18800] =	vst v63  }
0x516: {  	s11 =	simm.s32 $0xF000  }
0x517: {  	[tilespmem:s11], [sflag:$0x1] =	stream.indirect_vreg.gather [hbm4b:s6+s3], $0x80, v3, vm0, $0xb8;
	[tilespmem:$0x18800] =	vst v63  }
0x518: {  	v3 =	vld [tilespmem:$0x790];
	_ =	sdelay $0x4  }
0x519: {  	v61 =	vshrl.u32 v3, $0x3  }
0x51a: {  	v4 =	vmul.u32 $0x30, v61  }
0x51b: {  	v3 =	vand.u32 $0x7, v3  }
0x51c: {  	v3 =	vor.u32 v3, v4  }
0x51d: {  	v4 =	vperm.xlane v3, v0;
	_ =	sdelay $0x1  }
0x51e: {  	v4 =	vadd.s32 v1, v4;
	_ =	sdelay $0x3  }
0x51f: {  	s12 =	simm.s32 $0xF800;
	v3 =	vperm.xlane v3, v2  }
0x520: {  	[tilespmem:s12], [sflag:$0x1] =	stream.indirect_vreg.gather [hbm4b:s2+s3], $0x80, v4, vm0, $0xb8;
	[tilespmem:$0x18800] =	vst v63  }
0x521: {  	s14 =	simm.s32 $0x10000;
	v3 =	vadd.s32 v1, v3  }
0x522: {  	[tilespmem:s14], [sflag:$0x1] =	stream.indirect_vreg.gather [hbm4b:s5+s3], $0x80, v4, vm0, $0xb8;
	[tilespmem:$0x18800] =	vst v63  }
0x523: {  	s17 =	simm.s32 $0x10800  }
0x524: {  	[tilespmem:s17], [sflag:$0x1] =	stream.indirect_vreg.gather [hbm4b:s6+s3], $0x80, v4, vm0, $0xb8;
	[tilespmem:$0x18800] =	vst v63  }
0x525: {  	s16 =	simm.s32 $0x11000  }
0x526: {  	[tilespmem:s16], [sflag:$0x1] =	stream.indirect_vreg.gather [hbm4b:s2+s3], $0x80, v3, vm0, $0xb8;
	[tilespmem:$0x18800] =	vst v63  }
0x527: {  	s17 =	simm.s32 $0x11800  }
0x528: {  	[tilespmem:s17], [sflag:$0x1] =	stream.indirect_vreg.gather [hbm4b:s5+s3], $0x80, v3, vm0, $0xb8;
	[tilespmem:$0x18800] =	vst v63  }
0x529: {  	s18 =	simm.s32 $0x12000  }
0x52a: {  	[tilespmem:s18], [sflag:$0x1] =	stream.indirect_vreg.gather [hbm4b:s6+s3], $0x80, v3, vm0, $0xb8;
	[tilespmem:$0x18800] =	vst v63  }
0x52b: {  	v3 =	vld [tilespmem:$0x7A0];
	_ =	sdelay $0x4  }
0x52c: {  	v62 =	vshrl.u32 v3, $0x3  }
0x52d: {  	v4 =	vmul.u32 $0x30, v62  }
0x52e: {  	v3 =	vand.u32 $0x7, v3  }
0x52f: {  	v3 =	vor.u32 v3, v4  }
0x530: {  	v4 =	vperm.xlane v3, v0;
	_ =	sdelay $0x1  }
0x531: {  	v4 =	vadd.s32 v1, v4;
	_ =	sdelay $0x3  }
0x532: {  	s19 =	simm.s32 $0x12800;
	v3 =	vperm.xlane v3, v2  }
0x533: {  	[tilespmem:s19], [sflag:$0x1] =	stream.indirect_vreg.gather [hbm4b:s2+s3], $0x80, v4, vm0, $0xb8;
	[tilespmem:$0x18800] =	vst v63  }
0x534: {  	s20 =	simm.s32 $0x13000;
	v3 =	vadd.s32 v1, v3  }
0x535: {  	[tilespmem:s20], [sflag:$0x1] =	stream.indirect_vreg.gather [hbm4b:s5+s3], $0x80, v4, vm0, $0xb8;
	[tilespmem:$0x18800] =	vst v63  }
0x536: {  	s21 =	simm.s32 $0x13800  }
0x537: {  	[tilespmem:s21], [sflag:$0x1] =	stream.indirect_vreg.gather [hbm4b:s6+s3], $0x80, v4, vm0, $0xb8;
	[tilespmem:$0x18800] =	vst v63  }
0x538: {  	s22 =	simm.s32 $0x14000  }
0x539: {  	[tilespmem:s22], [sflag:$0x1] =	stream.indirect_vreg.gather [hbm4b:s2+s3], $0x80, v3, vm0, $0xb8;
	[tilespmem:$0x18800] =	vst v63  }
0x53a: {  	s23 =	simm.s32 $0x14800  }
0x53b: {  	[tilespmem:s23], [sflag:$0x1] =	stream.indirect_vreg.gather [hbm4b:s5+s3], $0x80, v3, vm0, $0xb8;
	[tilespmem:$0x18800] =	vst v63  }
0x53c: {  	s24 =	simm.s32 $0x15000  }
0x53d: {  	[tilespmem:s24], [sflag:$0x1] =	stream.indirect_vreg.gather [hbm4b:s6+s3], $0x80, v3, vm0, $0xb8;
	[tilespmem:$0x18800] =	vst v63  }
0x53e: {  	v3 =	vld [tilespmem:$0x7B0];
	_ =	sdelay $0x4  }
0x53f: {  	v63 =	vshrl.u32 v3, $0x3  }
0x540: {  	v4 =	vmul.u32 $0x30, v63  }
0x541: {  	v3 =	vand.u32 $0x7, v3  }
0x542: {  	v3 =	vor.u32 v3, v4  }
0x543: {  	v4 =	vperm.xlane v3, v0;
	_ =	sdelay $0x1  }
0x544: {  	v4 =	vadd.s32 v1, v4;
	_ =	sdelay $0x3  }
0x545: {  	s25 =	simm.s32 $0x15800;
	v3 =	vperm.xlane v3, v2  }
0x546: {  	[tilespmem:s25], [sflag:$0x1] =	stream.indirect_vreg.gather [hbm4b:s2+s3], $0x80, v4, vm0, $0xb8;
	[tilespmem:$0x18800] =	vst v63  }
0x547: {  	s26 =	simm.s32 $0x16000;
	v3 =	vadd.s32 v1, v3  }
0x548: {  	[tilespmem:s26], [sflag:$0x1] =	stream.indirect_vreg.gather [hbm4b:s5+s3], $0x80, v4, vm0, $0xb8;
	[tilespmem:$0x18800] =	vst v63  }
0x549: {  	s13 =	simm.s32 $0x16800  }
0x54a: {  	[tilespmem:s13], [sflag:$0x1] =	stream.indirect_vreg.gather [hbm4b:s6+s3], $0x80, v4, vm0, $0xb8;
	[tilespmem:$0x18800] =	vst v63  }
0x54b: {  	s28 =	simm.s32 $0x17000  }
0x54c: {  	[tilespmem:s28], [sflag:$0x1] =	stream.indirect_vreg.gather [hbm4b:s2+s3], $0x80, v3, vm0, $0xb8;
	[tilespmem:$0x18800] =	vst v63  }
0x54d: {  	s29 =	simm.s32 $0x17800  }
0x54e: {  	[tilespmem:s29], [sflag:$0x1] =	stream.indirect_vreg.gather [hbm4b:s5+s3], $0x80, v3, vm0, $0xb8;
	[tilespmem:$0x18800] =	vst v63  }
0x54f: {  	_ = 	snop  }
0x550: {  	[tilespmem:s8], [sflag:$0x1] =	stream.indirect_vreg.gather [hbm4b:s6+s3], $0x80, v3, vm0, $0xb8;
	[tilespmem:$0x18800] =	vst v63  }
0x551: {  	s9 =	simm.s32 $0x800;
	s30 =	rddreg [dreg:$0x12]  }
0x552: {  	[hbm4b:s30+s3] =	stream.linear.scatter [tilespmem:s9], [sflag:$0x2], $0xC000, $0x38;
	[tilespmem:$0x18800] =	vst v63  }
0x553: {  	s7 =	rddreg [dreg:$0x15];
	_ =	swait.ge [sflag:s4], $0xC000  }
0x554: {  	[sflag:s4] =	ssyncset.done $0x0  }
0x555: {  	[sflag:s4] =	ssyncadd.s32 $0xFFFF4000  }
0x556: {  	_ =	swait.ge [sflag:s10], $0xC000  }
0x557: {  	p0 =	sne.s32 s7, $0x1;
	[sflag:s10] =	ssyncset.done $0x0  }
.Ltmp0:
0x558: {  	s31 =	rddreg [dreg:$0x13];
	[sflag:s10] =	ssyncadd.s32 $0xFFFF4000;
	(pc) =	sbr.rel @p0 .LBB2_1-.Ltmp0, $4  }
0x559: {  	[hbm4b:s31+s3] =	stream.linear.scatter [tilespmem:s15], [sflag:$0x2], $0xC000, $0x38;
	[tilespmem:$0x18800] =	vst v63  }
0x55a: {  	_ =	swait.ge [sflag:s10], $0xC000  }
0x55b: {  	[sflag:s10] =	ssyncset.done $0x0  }
0x55c: {  	s0 =	sadd.s32 $0xFFFFFFFF, s7;
	[sflag:s10] =	ssyncadd.s32 $0xFFFF4000  }
0x55d: {  	_ =	sfence.sel $0x180000  }
0x55e: {  	[bflag:$0x0] =	sbarrier.arrive $0xFFFF  }
0x55f: {  	_ =	strace $0x90000047  }
0x560: {  	s0 =	stileid.u32;
	[bflag:$0x2] =	sbarrier.arrive $0xFFFF  }
0x561: {  	p0 =	sne.s32 s0, $0x0;
	s0 =	rddreg [dreg:$0x3]  }
0x562: {  	s0 =	sadd.s32 @!p0 $0x100000, s0  }
0x563: {  	[sflag:s0] =	ssyncadd.tile.s32 @!p0 $0x1;
	_ =	shalt  }
.Lfunc_end2:
_tile_overlayer_lowered:
.L_overlay_start_2:
0x564: {  	(tag) =	ssettag $0x2  }
0x565: {  	s0 =	rddreg [dreg:$0x0];
	s2 =	stileid.u32  }
0x566: {  	s1 =	rddreg [dreg:$0x1];
	p0 =	sne.s32 s2, $0x0  }
0x567: {  	s3 =	rddreg [dreg:$0x2];
	[bflag:$0x3] =	sbarrier.arrive $0xFFFF;
	s2 =	simm.s32 @!p0 $0x1C03  }
0x568: {  	[timem:s3], [sflag:s2] =	dma.local @!p0 [hbm:s0], s1  }
0x569: {  	s0 =	simm.s32 @!p0 $0x3  }
0x56a: {  	_ =	swait.ge @!p0 [sflag:s0], s1  }
0x56b: {  	s1 =	ssub.s32 @!p0 $0x0, s1;
	[sflag:s0] =	ssyncset.done @!p0 $0x0  }
0x56c: {  	[sflag:s0] =	ssyncadd.s32 @!p0 s1  }
0x56d: {  	[bflag:$0x3] =	sbarrier.arrive $0xFFFF  }
0x56e: {  	_ =	shalt  }

</sc_bundles>
